<compile_context>
chip_gen: v7x
topology: tpu7x:2x2x1
jax: 0.10.2.dev20260603
libtpu: 0.0.44.dev20260713+nightly
codegen_flags: <defaults>
</compile_context>

<pallas_src>
import functools

import jax
import jax.numpy as jnp
from jax import lax
from jax.experimental import pallas as pl
from jax.experimental.pallas import tpu as pltpu
from jax.experimental.pallas import tpu_sc as plsc

N = 10000
D = 128
E = 320000
NC = 2
NS = 16
L = 16
N_PAD = 10112
ROWS_PER_TILE = N_PAD // NS
CHUNK = 128
E_PAD = 327680
NUM_CHUNKS = E_PAD // CHUNK
CHUNKS_PER_TILE = NUM_CHUNKS // (NC * NS)
BLK = 400

_mesh = plsc.VectorSubcoreMesh(core_axis_name="c", subcore_axis_name="s")


def _fill(buf, val, nrows, width):
    vec = jnp.full((width,), val, jnp.float32)

    def body(i, carry):
        buf[i, :] = vec
        return carry

    lax.fori_loop(0, nrows, body, 0)


@functools.partial(
    pl.kernel,
    out_type=jax.ShapeDtypeStruct((NC, N_PAD, L), jnp.float32),
    mesh=_mesh,
    scratch_types=[
        pltpu.VMEM_SHARED((N_PAD, L), jnp.float32),
        pltpu.VMEM((CHUNKS_PER_TILE, CHUNK), jnp.int32),
        pltpu.VMEM((CHUNK, L), jnp.float32),
    ],
)
def _deg_partials(dst_hbm, out_hbm, acc_sh, idx_v, buf_v):
    c = lax.axis_index("c")
    s = lax.axis_index("s")
    wid = c * NS + s
    base = s * ROWS_PER_TILE
    _fill(buf_v, 0.0, CHUNK, L)
    nfull = ROWS_PER_TILE // CHUNK
    rem = ROWS_PER_TILE % CHUNK
    for k in range(nfull):
        pltpu.sync_copy(buf_v, acc_sh.at[pl.ds(base + k * CHUNK, CHUNK)])
    if rem:
        pltpu.sync_copy(buf_v.at[pl.ds(0, rem)],
                        acc_sh.at[pl.ds(base + nfull * CHUNK, rem)])
    pltpu.sync_copy(dst_hbm.at[pl.ds(wid * CHUNKS_PER_TILE, CHUNKS_PER_TILE)], idx_v)
    plsc.subcore_barrier()
    _fill(buf_v, 1.0, CHUNK, L)

    def body(j, carry):
        pltpu.sync_copy(buf_v, acc_sh.at[idx_v.at[j]], add=True)
        return carry

    lax.fori_loop(0, CHUNKS_PER_TILE, body, 0)
    plsc.subcore_barrier()
    pltpu.sync_copy(acc_sh.at[pl.ds(base, ROWS_PER_TILE)],
                    out_hbm.at[c, pl.ds(base, ROWS_PER_TILE)])


NBUF = 2
GROUP = 40
CPT0 = 160
CPT1 = 0


@functools.partial(
    pl.kernel,
    out_type=jax.ShapeDtypeStruct((NC, N_PAD, D), jnp.float32),
    mesh=_mesh,
    scratch_types=[
        pltpu.VMEM_SHARED((N_PAD, D), jnp.float32),
        pltpu.VMEM((GROUP, CHUNK), jnp.int32),
        pltpu.VMEM((GROUP, CHUNK), jnp.int32),
        [pltpu.VMEM((CHUNK, D), jnp.float32)] * NBUF,
        [pltpu.SemaphoreType.DMA] * NBUF,
        [pltpu.SemaphoreType.DMA] * NBUF,
    ],
)
def _agg_partials(y_hbm, src_hbm, dst_hbm, out_hbm, acc_sh, src_v, dst_v,
                  bufs, gsem, ssem):
    c = lax.axis_index("c")
    s = lax.axis_index("s")
    wid = c * NS + s
    base = s * ROWS_PER_TILE
    pltpu.sync_copy(y_hbm.at[pl.ds(base, ROWS_PER_TILE)],
                    acc_sh.at[pl.ds(base, ROWS_PER_TILE)])
    plsc.subcore_barrier()

    cpt = jnp.where(c == 0, CPT0, CPT1)
    tile_base = c * (NS * CPT0) + s * cpt

    def group_body(g, carry):
        eb = pl.multiple_of(tile_base + g * GROUP, 8)
        pltpu.sync_copy(src_hbm.at[pl.ds(eb, GROUP)], src_v)
        pltpu.sync_copy(dst_hbm.at[pl.ds(eb, GROUP)], dst_v)

        for k in range(NBUF - 1):
            pltpu.async_copy(y_hbm.at[src_v.at[k]], bufs[k], gsem[k])

        def body(t, carry2):
            for k in range(NBUF):
                j = NBUF * t + k
                bcur = k
                bpre = (k + NBUF - 1) % NBUF

                @pl.when(j >= 1)
                def _wait_prev_scatter():
                    jp = lax.max(j - 1, 0)
                    pltpu.make_async_copy(bufs[bpre], acc_sh.at[dst_v.at[jp]],
                                          ssem[bpre]).wait()

                @pl.when(j + NBUF - 1 < GROUP)
                def _prefetch():
                    pltpu.async_copy(y_hbm.at[src_v.at[j + NBUF - 1]],
                                     bufs[bpre], gsem[bpre])

                pltpu.make_async_copy(y_hbm.at[src_v.at[j]], bufs[bcur],
                                      gsem[bcur]).wait()
                pltpu.async_copy(bufs[bcur], acc_sh.at[dst_v.at[j]],
                                 ssem[bcur], add=True)
            return carry2

        lax.fori_loop(0, GROUP // NBUF, body, 0)
        last = GROUP - 1
        pltpu.make_async_copy(bufs[last % NBUF], acc_sh.at[dst_v.at[last]],
                              ssem[last % NBUF]).wait()
        return carry

    lax.fori_loop(0, cpt // GROUP, group_body, 0)
    plsc.subcore_barrier()
    pltpu.sync_copy(acc_sh.at[pl.ds(base, ROWS_PER_TILE)],
                    out_hbm.at[c, pl.ds(base, ROWS_PER_TILE)])


def _dinv_of(p0, p1):
    return lax.rsqrt(p0[:, :1] + p1[:, :1] + 1.0)


def _tc_y_body(x_ref, w_ref, p0_ref, p1_ref, y_ref):
    dinv = _dinv_of(p0_ref[...], p1_ref[...])
    y_ref[...] = jnp.dot(x_ref[...], w_ref[...],
                         preferred_element_type=jnp.float32) * dinv


def _tc_mid_body(p0_ref, p1_ref, a0_ref, a1_ref, y1_ref, b1_ref, g_ref, be_ref,
                 w2_ref, y2_ref):
    dinv = _dinv_of(p0_ref[...], p1_ref[...])
    h = dinv * (a0_ref[...] + a1_ref[...] - y1_ref[...]) + b1_ref[...]
    bn_scale = jnp.float32(1.0 / (1.0 + 1e-5) ** 0.5)
    h = h * (g_ref[...] * bn_scale) + be_ref[...]
    h = jnp.maximum(h, 0.0)
    y2_ref[...] = jnp.dot(h, w2_ref[...], preferred_element_type=jnp.float32) * dinv


def _tc_out_body(p0_ref, p1_ref, a0_ref, a1_ref, y2_ref, b2_ref, o_ref):
    dinv = _dinv_of(p0_ref[...], p1_ref[...])
    o = dinv * (a0_ref[...] + a1_ref[...] - y2_ref[...]) + b2_ref[...]
    m = jnp.max(o, axis=1, keepdims=True)
    ex = jnp.exp(o - m)
    o_ref[...] = (o - m) - jnp.log(jnp.sum(ex, axis=1, keepdims=True))


def _row_spec(w):
    return pl.BlockSpec((BLK, w), lambda i: (i, 0))


def _full_spec(shape):
    return pl.BlockSpec(shape, lambda i: (0, 0))


_tc_y = pl.pallas_call(
    _tc_y_body,
    grid=(N // BLK,),
    in_specs=[_row_spec(D), _full_spec((D, D)), _row_spec(L), _row_spec(L)],
    out_specs=_row_spec(D),
    out_shape=jax.ShapeDtypeStruct((N, D), jnp.float32),
)

_tc_mid = pl.pallas_call(
    _tc_mid_body,
    grid=(N // BLK,),
    in_specs=[_row_spec(L), _row_spec(L), _row_spec(D), _row_spec(D), _row_spec(D),
              _full_spec((1, D)), _full_spec((1, D)), _full_spec((1, D)),
              _full_spec((D, D))],
    out_specs=_row_spec(D),
    out_shape=jax.ShapeDtypeStruct((N, D), jnp.float32),
)

_tc_out = pl.pallas_call(
    _tc_out_body,
    grid=(N // BLK,),
    in_specs=[_row_spec(L), _row_spec(L), _row_spec(D), _row_spec(D), _row_spec(D),
              _full_spec((1, D))],
    out_specs=_row_spec(D),
    out_shape=jax.ShapeDtypeStruct((N, D), jnp.float32),
)


def kernel(x, edge_index, W1, b1, gamma, beta, W2, b2):
    src = edge_index[0].astype(jnp.int32)
    dst = edge_index[1].astype(jnp.int32)
    pad = E_PAD - E
    src_p = jnp.concatenate([src, jnp.zeros((pad,), jnp.int32)]).reshape(NUM_CHUNKS, CHUNK)
    dst_p = jnp.concatenate([dst, jnp.full((pad,), N, jnp.int32)]).reshape(NUM_CHUNKS, CHUNK)

    degp = _deg_partials(dst_p)
    p0 = degp[0, :N]
    p1 = degp[1, :N]

    y1 = _tc_y(x, W1, p0, p1)
    y1p = jnp.concatenate([y1, jnp.zeros((N_PAD - N, D), jnp.float32)])
    a = _agg_partials(y1p, src_p, dst_p)

    y2 = _tc_mid(p0, p1, a[0, :N], a[1, :N], y1,
                 b1.reshape(1, D), gamma.reshape(1, D), beta.reshape(1, D), W2)
    y2p = jnp.concatenate([y2, jnp.zeros((N_PAD - N, D), jnp.float32)])
    a2 = _agg_partials(y2p, src_p, dst_p)

    return _tc_out(p0, p1, a2[0, :N], a2[1, :N], y2, b2.reshape(1, D))

# --- scband reference (transcript-rebuilt; emitter-appended) ---
"""Pipeline reference for scband-gcnvariant-31610959298973 (READ-ONLY COPY).

The authoritative reference and input builder live on the scoring server;
editing this copy changes nothing except your own understanding.
"""

import jax, jax.numpy as jnp
import numpy as np

N = 10000
E = 320000
D = 128


def gcn_conv(x, edge_index, W, b, num_nodes):
    # PyG GCNConv: add self-loops, symmetric normalization D^-1/2 (A+I) D^-1/2 X W + b
    src = edge_index[0]
    dst = edge_index[1]
    loop = jnp.arange(num_nodes, dtype=src.dtype)
    src = jnp.concatenate([src, loop])
    dst = jnp.concatenate([dst, loop])
    ones = jnp.ones(src.shape[0], dtype=x.dtype)
    deg = jax.ops.segment_sum(ones, dst, num_segments=num_nodes)
    dinv = jnp.where(deg > 0, jax.lax.rsqrt(deg), 0.0)
    norm = dinv[src] * dinv[dst]
    xw = x @ W
    msg = xw[src] * norm[:, None]
    out = jax.ops.segment_sum(msg, dst, num_segments=num_nodes)
    return out + b


def batchnorm_eval(h, gamma, beta, eps=1e-5):
    # eval mode with default running stats (mean=0, var=1)
    running_mean = jnp.zeros((h.shape[1],), dtype=h.dtype)
    running_var = jnp.ones((h.shape[1],), dtype=h.dtype)
    return (h - running_mean) / jnp.sqrt(running_var + eps) * gamma + beta


def setup_inputs(seed: int = 0) -> dict:
    key = jax.random.key(seed)
    ks = jax.random.split(key, 8)
    x = jax.random.normal(ks[0], (N, D), dtype=jnp.float32)
    edge_index = jax.random.randint(ks[1], (2, E), 0, N, dtype=jnp.int32)
    scale = 1.0 / np.sqrt(D)
    W1 = jax.random.normal(ks[2], (D, D), dtype=jnp.float32) * scale
    b1 = jnp.zeros((D,), dtype=jnp.float32)
    gamma = jnp.ones((D,), dtype=jnp.float32)
    beta = jnp.zeros((D,), dtype=jnp.float32)
    W2 = jax.random.normal(ks[3], (D, D), dtype=jnp.float32) * scale
    b2 = jnp.zeros((D,), dtype=jnp.float32)
    return {"x": x, "edge_index": edge_index, "W1": W1, "b1": b1,
            "gamma": gamma, "beta": beta, "W2": W2, "b2": b2}


def reference(x, edge_index, W1, b1, gamma, beta, W2, b2):
    # layer 0: conv -> BN(eval) -> relu -> dropout(eval = identity)
    h = gcn_conv(x, edge_index, W1, b1, N)
    h = batchnorm_eval(h, gamma, beta)
    h = jax.nn.relu(h)
    # dropout is identity in eval mode
    # final conv
    h = gcn_conv(h, edge_index, W2, b2, N)
    return jax.nn.log_softmax(h, axis=1)

if __name__ == "__main__":
    import jax
    _d = setup_inputs()
    print(jax.jit(kernel)(*tuple(_d.values())))

</pallas_src>

<mosaic_0001>
#map = affine_map<(d0, d1) -> (0, 0)>
#map1 = affine_map<(d0, d1) -> (0, 0, 0)>
module attributes {stable_mosaic.version = 14 : i64} {
  func.func @_agg_partials(%arg0: i32, %arg1: i32, %arg2: memref<10112x128xf32, #tpu.memory_space<hbm>>, %arg3: memref<2560x128xi32, #tpu.memory_space<hbm>>, %arg4: memref<2560x128xi32, #tpu.memory_space<hbm>>, %arg5: memref<2x10112x128xf32, #tpu.memory_space<hbm>>, %arg6: memref<10112x128xf32, #tpu.memory_space<vmem_shared>>, %arg7: memref<40x128xi32, #tpu.memory_space<vmem>>, %arg8: memref<40x128xi32, #tpu.memory_space<vmem>>, %arg9: memref<128x128xf32, #tpu.memory_space<vmem>>, %arg10: memref<128x128xf32, #tpu.memory_space<vmem>>, %arg11: memref<!tpu.dma_semaphore, #tpu.memory_space<semaphore_mem>>, %arg12: memref<!tpu.dma_semaphore, #tpu.memory_space<semaphore_mem>>, %arg13: memref<!tpu.dma_semaphore, #tpu.memory_space<semaphore_mem>>, %arg14: memref<!tpu.dma_semaphore, #tpu.memory_space<semaphore_mem>>) attributes {dimension_semantics = [#tpu.dimension_semantics<core_parallel>, #tpu.dimension_semantics<subcore_parallel>], iteration_bounds = array<i64: 2, 16>, scalar_prefetch = 0 : i64, scratch_operands = 9 : i64, tpu.core_type = #tpu.core_type<sc_vector_subcore>, window_params = [{transform_indices = #map}, {transform_indices = #map}, {transform_indices = #map}, {transform_indices = #map1}]} {
    %mul3A = arith.constant 16 : i32
    %mul3A_0 = arith.muli %arg0, %mul3A : i32
    %add3A = arith.addi %mul3A_0, %arg1 : i32
    %mul3A_1 = arith.constant 632 : i32
    %mul3A_2 = arith.muli %arg1, %mul3A_1 : i32
    "tpu.region"() ({
      %run_scoped3A = tpu.sem_alloc : memref<!tpu.dma_semaphore, #tpu.memory_space<semaphore_mem>>
      %dma_start3A = arith.constant 0 : i32
      %dma_start3A_37 = tpu.memref_slice %arg6[%mul3A_2, %dma_start3A] : memref<10112x128xf32, #tpu.memory_space<vmem_shared>> -> memref<632x128xf32, #tpu.memory_space<vmem_shared>>
      %dma_start3A_38 = arith.constant 0 : i32
      %dma_start3A_39 = tpu.memref_slice %arg2[%mul3A_2, %dma_start3A_38] : memref<10112x128xf32, #tpu.memory_space<hbm>> -> memref<632x128xf32, #tpu.memory_space<hbm>>
      tpu.enqueue_dma source(%dma_start3A_39 : memref<632x128xf32, #tpu.memory_space<hbm>>) target(%dma_start3A_37 : memref<632x128xf32, #tpu.memory_space<vmem_shared>>) target_semaphore(%run_scoped3A : memref<!tpu.dma_semaphore, #tpu.memory_space<semaphore_mem>>)
      %dma_wait3A = arith.constant 0 : i32
      %dma_wait3A_40 = tpu.memref_slice %arg6[%mul3A_2, %dma_wait3A] : memref<10112x128xf32, #tpu.memory_space<vmem_shared>> -> memref<632x128xf32, #tpu.memory_space<vmem_shared>>
      %dma_wait3A_41 = arith.constant 0 : i32
      %dma_wait3A_42 = tpu.memref_slice %arg2[%mul3A_2, %dma_wait3A_41] : memref<10112x128xf32, #tpu.memory_space<hbm>> -> memref<632x128xf32, #tpu.memory_space<hbm>>
      tpu.wait_dma2 semaphore(%run_scoped3A : memref<!tpu.dma_semaphore, #tpu.memory_space<semaphore_mem>>) src(%dma_wait3A_42 : memref<632x128xf32, #tpu.memory_space<hbm>>) dst(%dma_wait3A_40 : memref<632x128xf32, #tpu.memory_space<vmem_shared>>)
      tpu.yield
    }) : () -> ()
    %barrier3A = arith.constant 0 : index
    tpu.barrier barrier_id(%barrier3A)
    %eq3A = arith.constant 0 : i32
    %eq3A_3 = arith.cmpi eq, %arg0, %eq3A : i32
    %jit3A = arith.constant 160 : i32
    %jit3A_4 = arith.constant 0 : i32
    %select_n3A = arith.select %eq3A_3, %jit3A, %jit3A_4 : i32
    %mul3A_5 = arith.constant 2560 : i32
    %mul3A_6 = arith.muli %arg0, %mul3A_5 : i32
    %mul3A_7 = arith.muli %arg1, %select_n3A : i32
    %add3A_8 = arith.addi %mul3A_6, %mul3A_7 : i32
    %jit3A_9 = arith.constant 40 : i32
    %div3A = arith.divsi %select_n3A, %jit3A_9 : i32
    %sign3A = arith.constant 0 : i32
    %sign3A_10 = arith.cmpi sgt, %select_n3A, %sign3A : i32
    %sign3A_11 = arith.extui %sign3A_10 : i1 to i32
    %sign3A_12 = arith.constant 0 : i32
    %sign3A_13 = arith.cmpi slt, %select_n3A, %sign3A_12 : i32
    %sign3A_14 = arith.extui %sign3A_13 : i1 to i32
    %sign3A_15 = arith.subi %sign3A_11, %sign3A_14 : i32
    %sign3A_16 = arith.constant 0 : i32
    %sign3A_17 = arith.cmpi sgt, %jit3A_9, %sign3A_16 : i32
    %sign3A_18 = arith.extui %sign3A_17 : i1 to i32
    %sign3A_19 = arith.constant 0 : i32
    %sign3A_20 = arith.cmpi slt, %jit3A_9, %sign3A_19 : i32
    %sign3A_21 = arith.extui %sign3A_20 : i1 to i32
    %sign3A_22 = arith.subi %sign3A_18, %sign3A_21 : i32
    %ne3A = arith.cmpi ne, %sign3A_15, %sign3A_22 : i32
    %rem3A = arith.remsi %select_n3A, %jit3A_9 : i32
    %ne3A_23 = arith.constant 0 : i32
    %ne3A_24 = arith.cmpi ne, %rem3A, %ne3A_23 : i32
    %and3A = arith.andi %ne3A, %ne3A_24 : i1
    %sub3A = arith.constant 1 : i32
    %sub3A_25 = arith.subi %div3A, %sub3A : i32
    %select_n3A_26 = arith.select %and3A, %sub3A_25, %div3A : i32
    %while3A = arith.constant 0 : i32
    %while3A_27 = arith.constant 0 : i32
    %while3A_28 = arith.subi %select_n3A_26, %while3A_27 : i32
    %while3A_29 = arith.addi %while3A_27, %while3A_28 : i32
    %while3A_30 = arith.constant 1 : i32
    %while3A_31 = arith.divsi %while3A_28, %while3A_30 : i32
    %while3A_32 = arith.muli %while3A_31, %while3A_30 : i32
    %while3A_33 = arith.addi %while3A_27, %while3A_32 : i32
    %while3A_34 = arith.constant 1 : i32
    scf.for %while3A_37 = %while3A_27 to %while3A_33 step %while3A_34  : i32 {
      %mul3A_38 = arith.constant 40 : i32
      %mul3A_39 = arith.muli %while3A_37, %mul3A_38 : i32
      %add3A_40 = arith.addi %add3A_8, %mul3A_39 : i32
      %multiple_of3A = tpu.assume_multiple %add3A_40, 8 : i32
      "tpu.region"() ({
        %run_scoped3A = tpu.sem_alloc : memref<!tpu.dma_semaphore, #tpu.memory_space<semaphore_mem>>
        %dma_start3A_58 = arith.constant 0 : i32
        %dma_start3A_59 = tpu.memref_slice %arg3[%multiple_of3A, %dma_start3A_58] : memref<2560x128xi32, #tpu.memory_space<hbm>> -> memref<40x128xi32, #tpu.memory_space<hbm>>
        %dma_start3A_60 = arith.constant 0 : i32
        %dma_start3A_61 = tpu.memref_slice %arg3[%multiple_of3A, %dma_start3A_60] : memref<2560x128xi32, #tpu.memory_space<hbm>> -> memref<40x128xi32, #tpu.memory_space<hbm>>
        tpu.enqueue_dma source(%dma_start3A_61 : memref<40x128xi32, #tpu.memory_space<hbm>>) target(%arg7 : memref<40x128xi32, #tpu.memory_space<vmem>>) target_semaphore(%run_scoped3A : memref<!tpu.dma_semaphore, #tpu.memory_space<semaphore_mem>>)
        %dma_wait3A_62 = arith.constant 0 : i32
        %dma_wait3A_63 = tpu.memref_slice %arg3[%multiple_of3A, %dma_wait3A_62] : memref<2560x128xi32, #tpu.memory_space<hbm>> -> memref<40x128xi32, #tpu.memory_space<hbm>>
        %dma_wait3A_64 = arith.constant 0 : i32
        %dma_wait3A_65 = tpu.memref_slice %arg3[%multiple_of3A, %dma_wait3A_64] : memref<2560x128xi32, #tpu.memory_space<hbm>> -> memref<40x128xi32, #tpu.memory_space<hbm>>
        tpu.wait_dma2 semaphore(%run_scoped3A : memref<!tpu.dma_semaphore, #tpu.memory_space<semaphore_mem>>) src(%dma_wait3A_65 : memref<40x128xi32, #tpu.memory_space<hbm>>) dst(%arg7 : memref<40x128xi32, #tpu.memory_space<vmem>>)
        tpu.yield
      }) : () -> ()
      "tpu.region"() ({
        %run_scoped3A = tpu.sem_alloc : memref<!tpu.dma_semaphore, #tpu.memory_space<semaphore_mem>>
        %dma_start3A_58 = arith.constant 0 : i32
        %dma_start3A_59 = tpu.memref_slice %arg4[%multiple_of3A, %dma_start3A_58] : memref<2560x128xi32, #tpu.memory_space<hbm>> -> memref<40x128xi32, #tpu.memory_space<hbm>>
        %dma_start3A_60 = arith.constant 0 : i32
        %dma_start3A_61 = tpu.memref_slice %arg4[%multiple_of3A, %dma_start3A_60] : memref<2560x128xi32, #tpu.memory_space<hbm>> -> memref<40x128xi32, #tpu.memory_space<hbm>>
        tpu.enqueue_dma source(%dma_start3A_61 : memref<40x128xi32, #tpu.memory_space<hbm>>) target(%arg8 : memref<40x128xi32, #tpu.memory_space<vmem>>) target_semaphore(%run_scoped3A : memref<!tpu.dma_semaphore, #tpu.memory_space<semaphore_mem>>)
        %dma_wait3A_62 = arith.constant 0 : i32
        %dma_wait3A_63 = tpu.memref_slice %arg4[%multiple_of3A, %dma_wait3A_62] : memref<2560x128xi32, #tpu.memory_space<hbm>> -> memref<40x128xi32, #tpu.memory_space<hbm>>
        %dma_wait3A_64 = arith.constant 0 : i32
        %dma_wait3A_65 = tpu.memref_slice %arg4[%multiple_of3A, %dma_wait3A_64] : memref<2560x128xi32, #tpu.memory_space<hbm>> -> memref<40x128xi32, #tpu.memory_space<hbm>>
        tpu.wait_dma2 semaphore(%run_scoped3A : memref<!tpu.dma_semaphore, #tpu.memory_space<semaphore_mem>>) src(%dma_wait3A_65 : memref<40x128xi32, #tpu.memory_space<hbm>>) dst(%arg8 : memref<40x128xi32, #tpu.memory_space<vmem>>)
        tpu.yield
      }) : () -> ()
      %dma_start3A = arith.constant 0 : i32
      %dma_start3A_41 = arith.constant 0 : i32
      %dma_start3A_42 = tpu.memref_slice %arg7[%dma_start3A, %dma_start3A_41] : memref<40x128xi32, #tpu.memory_space<vmem>> -> memref<1x128xi32, #tpu.memory_space<vmem>>
      %dma_start3A_43 = tpu.memref_squeeze %dma_start3A_42 : memref<1x128xi32, #tpu.memory_space<vmem>> -> memref<128xi32, #tpu.memory_space<vmem>>
      %dma_start3A_44 = arith.constant 0 : i32
      %dma_start3A_45 = arith.constant 0 : i32
      %dma_start3A_46 = tpu.memref_slice %arg2[%dma_start3A_44, %dma_start3A_45] : memref<10112x128xf32, #tpu.memory_space<hbm>> -> memref<10112x128xf32, #tpu.memory_space<hbm>>
      tpu.enqueue_indirect_dma source(%dma_start3A_46 : memref<10112x128xf32, #tpu.memory_space<hbm>>) target(%arg9 : memref<128x128xf32, #tpu.memory_space<vmem>>) offsets(%dma_start3A_43 : memref<128xi32, #tpu.memory_space<vmem>>) semaphore(%arg11 : memref<!tpu.dma_semaphore, #tpu.memory_space<semaphore_mem>>)
      %scan3A = arith.constant 0 : i32
      %scan3A_47 = arith.constant 0 : i32
      %scan3A_48 = arith.constant 20 : i32
      %scan3A_49 = arith.addi %scan3A_47, %scan3A_48 : i32
      %scan3A_50 = arith.constant 1 : i32
      scf.for %scan3A_58 = %scan3A_47 to %scan3A_49 step %scan3A_50  : i32 {
        %mul3A_59 = arith.constant 2 : i32
        %mul3A_60 = arith.muli %mul3A_59, %scan3A_58 : i32
        %add3A_61 = arith.constant 0 : i32
        %add3A_62 = arith.addi %mul3A_60, %add3A_61 : i32
        %ge3A = arith.constant 1 : i32
        %ge3A_63 = arith.cmpi sge, %add3A_62, %ge3A : i32
        %convert_element_type3A = arith.extui %ge3A_63 : i1 to i32
        %cond3A = arith.constant 0 : i32
        %cond3A_64 = arith.cmpi ne, %convert_element_type3A, %cond3A : i32
        scf.if %cond3A_64 {
          %sub3A_115 = arith.constant 1 : i32
          %sub3A_116 = arith.subi %add3A_62, %sub3A_115 : i32
          %max3A = arith.constant 0 : i32
          %max3A_117 = arith.maxsi %sub3A_116, %max3A : i32
          %dma_wait3A_118 = arith.constant 0 : i32
          %dma_wait3A_119 = tpu.memref_slice %arg8[%max3A_117, %dma_wait3A_118] : memref<40x128xi32, #tpu.memory_space<vmem>> -> memref<1x128xi32, #tpu.memory_space<vmem>>
          %dma_wait3A_120 = tpu.memref_squeeze %dma_wait3A_119 : memref<1x128xi32, #tpu.memory_space<vmem>> -> memref<128xi32, #tpu.memory_space<vmem>>
          %dma_wait3A_121 = arith.constant 0 : i32
          %dma_wait3A_122 = arith.constant 0 : i32
          %dma_wait3A_123 = tpu.memref_slice %arg6[%dma_wait3A_121, %dma_wait3A_122] : memref<10112x128xf32, #tpu.memory_space<vmem_shared>> -> memref<10112x128xf32, #tpu.memory_space<vmem_shared>>
          tpu.wait_indirect_dma semaphore(%arg14 : memref<!tpu.dma_semaphore, #tpu.memory_space<semaphore_mem>>) src(%arg10 : memref<128x128xf32, #tpu.memory_space<vmem>>) dst(%dma_wait3A_123 : memref<10112x128xf32, #tpu.memory_space<vmem_shared>>)
        } else {
        }
        %add3A_65 = arith.constant 2 : i32
        %add3A_66 = arith.addi %add3A_62, %add3A_65 : i32
        %sub3A_67 = arith.constant 1 : i32
        %sub3A_68 = arith.subi %add3A_66, %sub3A_67 : i32
        %lt3A = arith.constant 40 : i32
        %lt3A_69 = arith.cmpi slt, %sub3A_68, %lt3A : i32
        %convert_element_type3A_70 = arith.extui %lt3A_69 : i1 to i32
        %cond3A_71 = arith.constant 0 : i32
        %cond3A_72 = arith.cmpi ne, %convert_element_type3A_70, %cond3A_71 : i32
        scf.if %cond3A_72 {
          %add3A_115 = arith.constant 2 : i32
          %add3A_116 = arith.addi %add3A_62, %add3A_115 : i32
          %sub3A_117 = arith.constant 1 : i32
          %sub3A_118 = arith.subi %add3A_116, %sub3A_117 : i32
          %dma_start3A_119 = arith.constant 0 : i32
          %dma_start3A_120 = tpu.memref_slice %arg7[%sub3A_118, %dma_start3A_119] : memref<40x128xi32, #tpu.memory_space<vmem>> -> memref<1x128xi32, #tpu.memory_space<vmem>>
          %dma_start3A_121 = tpu.memref_squeeze %dma_start3A_120 : memref<1x128xi32, #tpu.memory_space<vmem>> -> memref<128xi32, #tpu.memory_space<vmem>>
          %dma_start3A_122 = arith.constant 0 : i32
          %dma_start3A_123 = arith.constant 0 : i32
          %dma_start3A_124 = tpu.memref_slice %arg2[%dma_start3A_122, %dma_start3A_123] : memref<10112x128xf32, #tpu.memory_space<hbm>> -> memref<10112x128xf32, #tpu.memory_space<hbm>>
          tpu.enqueue_indirect_dma source(%dma_start3A_124 : memref<10112x128xf32, #tpu.memory_space<hbm>>) target(%arg10 : memref<128x128xf32, #tpu.memory_space<vmem>>) offsets(%dma_start3A_121 : memref<128xi32, #tpu.memory_space<vmem>>) semaphore(%arg12 : memref<!tpu.dma_semaphore, #tpu.memory_space<semaphore_mem>>)
        } else {
        }
        %dma_wait3A_73 = arith.constant 0 : i32
        %dma_wait3A_74 = tpu.memref_slice %arg7[%add3A_62, %dma_wait3A_73] : memref<40x128xi32, #tpu.memory_space<vmem>> -> memref<1x128xi32, #tpu.memory_space<vmem>>
        %dma_wait3A_75 = tpu.memref_squeeze %dma_wait3A_74 : memref<1x128xi32, #tpu.memory_space<vmem>> -> memref<128xi32, #tpu.memory_space<vmem>>
        %dma_wait3A_76 = arith.constant 0 : i32
        %dma_wait3A_77 = arith.constant 0 : i32
        %dma_wait3A_78 = tpu.memref_slice %arg2[%dma_wait3A_76, %dma_wait3A_77] : memref<10112x128xf32, #tpu.memory_space<hbm>> -> memref<10112x128xf32, #tpu.memory_space<hbm>>
        tpu.wait_indirect_dma semaphore(%arg11 : memref<!tpu.dma_semaphore, #tpu.memory_space<semaphore_mem>>) src(%dma_wait3A_78 : memref<10112x128xf32, #tpu.memory_space<hbm>>) dst(%arg9 : memref<128x128xf32, #tpu.memory_space<vmem>>)
        %dma_start3A_79 = arith.constant 0 : i32
        %dma_start3A_80 = tpu.memref_slice %arg8[%add3A_62, %dma_start3A_79] : memref<40x128xi32, #tpu.memory_space<vmem>> -> memref<1x128xi32, #tpu.memory_space<vmem>>
        %dma_start3A_81 = tpu.memref_squeeze %dma_start3A_80 : memref<1x128xi32, #tpu.memory_space<vmem>> -> memref<128xi32, #tpu.memory_space<vmem>>
        %dma_start3A_82 = arith.constant 0 : i32
        %dma_start3A_83 = arith.constant 0 : i32
        %dma_start3A_84 = tpu.memref_slice %arg6[%dma_start3A_82, %dma_start3A_83] : memref<10112x128xf32, #tpu.memory_space<vmem_shared>> -> memref<10112x128xf32, #tpu.memory_space<vmem_shared>>
        tpu.enqueue_indirect_dma source(%arg9 : memref<128x128xf32, #tpu.memory_space<vmem>>) target(%dma_start3A_84 : memref<10112x128xf32, #tpu.memory_space<vmem_shared>>) offsets(%dma_start3A_81 : memref<128xi32, #tpu.memory_space<vmem>>) semaphore(%arg13 : memref<!tpu.dma_semaphore, #tpu.memory_space<semaphore_mem>>) {add = true}
        %mul3A_85 = arith.constant 2 : i32
        %mul3A_86 = arith.muli %mul3A_85, %scan3A_58 : i32
        %add3A_87 = arith.constant 1 : i32
        %add3A_88 = arith.addi %mul3A_86, %add3A_87 : i32
        %ge3A_89 = arith.constant 1 : i32
        %ge3A_90 = arith.cmpi sge, %add3A_88, %ge3A_89 : i32
        %convert_element_type3A_91 = arith.extui %ge3A_90 : i1 to i32
        %cond3A_92 = arith.constant 0 : i32
        %cond3A_93 = arith.cmpi ne, %convert_element_type3A_91, %cond3A_92 : i32
        scf.if %cond3A_93 {
          %sub3A_115 = arith.constant 1 : i32
          %sub3A_116 = arith.subi %add3A_88, %sub3A_115 : i32
          %max3A = arith.constant 0 : i32
          %max3A_117 = arith.maxsi %sub3A_116, %max3A : i32
          %dma_wait3A_118 = arith.constant 0 : i32
          %dma_wait3A_119 = tpu.memref_slice %arg8[%max3A_117, %dma_wait3A_118] : memref<40x128xi32, #tpu.memory_space<vmem>> -> memref<1x128xi32, #tpu.memory_space<vmem>>
          %dma_wait3A_120 = tpu.memref_squeeze %dma_wait3A_119 : memref<1x128xi32, #tpu.memory_space<vmem>> -> memref<128xi32, #tpu.memory_space<vmem>>
          %dma_wait3A_121 = arith.constant 0 : i32
          %dma_wait3A_122 = arith.constant 0 : i32
          %dma_wait3A_123 = tpu.memref_slice %arg6[%dma_wait3A_121, %dma_wait3A_122] : memref<10112x128xf32, #tpu.memory_space<vmem_shared>> -> memref<10112x128xf32, #tpu.memory_space<vmem_shared>>
          tpu.wait_indirect_dma semaphore(%arg13 : memref<!tpu.dma_semaphore, #tpu.memory_space<semaphore_mem>>) src(%arg9 : memref<128x128xf32, #tpu.memory_space<vmem>>) dst(%dma_wait3A_123 : memref<10112x128xf32, #tpu.memory_space<vmem_shared>>)
        } else {
        }
        %add3A_94 = arith.constant 2 : i32
        %add3A_95 = arith.addi %add3A_88, %add3A_94 : i32
        %sub3A_96 = arith.constant 1 : i32
        %sub3A_97 = arith.subi %add3A_95, %sub3A_96 : i32
        %lt3A_98 = arith.constant 40 : i32
        %lt3A_99 = arith.cmpi slt, %sub3A_97, %lt3A_98 : i32
        %convert_element_type3A_100 = arith.extui %lt3A_99 : i1 to i32
        %cond3A_101 = arith.constant 0 : i32
        %cond3A_102 = arith.cmpi ne, %convert_element_type3A_100, %cond3A_101 : i32
        scf.if %cond3A_102 {
          %add3A_115 = arith.constant 2 : i32
          %add3A_116 = arith.addi %add3A_88, %add3A_115 : i32
          %sub3A_117 = arith.constant 1 : i32
          %sub3A_118 = arith.subi %add3A_116, %sub3A_117 : i32
          %dma_start3A_119 = arith.constant 0 : i32
          %dma_start3A_120 = tpu.memref_slice %arg7[%sub3A_118, %dma_start3A_119] : memref<40x128xi32, #tpu.memory_space<vmem>> -> memref<1x128xi32, #tpu.memory_space<vmem>>
          %dma_start3A_121 = tpu.memref_squeeze %dma_start3A_120 : memref<1x128xi32, #tpu.memory_space<vmem>> -> memref<128xi32, #tpu.memory_space<vmem>>
          %dma_start3A_122 = arith.constant 0 : i32
          %dma_start3A_123 = arith.constant 0 : i32
          %dma_start3A_124 = tpu.memref_slice %arg2[%dma_start3A_122, %dma_start3A_123] : memref<10112x128xf32, #tpu.memory_space<hbm>> -> memref<10112x128xf32, #tpu.memory_space<hbm>>
          tpu.enqueue_indirect_dma source(%dma_start3A_124 : memref<10112x128xf32, #tpu.memory_space<hbm>>) target(%arg9 : memref<128x128xf32, #tpu.memory_space<vmem>>) offsets(%dma_start3A_121 : memref<128xi32, #tpu.memory_space<vmem>>) semaphore(%arg11 : memref<!tpu.dma_semaphore, #tpu.memory_space<semaphore_mem>>)
        } else {
        }
        %dma_wait3A_103 = arith.constant 0 : i32
        %dma_wait3A_104 = tpu.memref_slice %arg7[%add3A_88, %dma_wait3A_103] : memref<40x128xi32, #tpu.memory_space<vmem>> -> memref<1x128xi32, #tpu.memory_space<vmem>>
        %dma_wait3A_105 = tpu.memref_squeeze %dma_wait3A_104 : memref<1x128xi32, #tpu.memory_space<vmem>> -> memref<128xi32, #tpu.memory_space<vmem>>
        %dma_wait3A_106 = arith.constant 0 : i32
        %dma_wait3A_107 = arith.constant 0 : i32
        %dma_wait3A_108 = tpu.memref_slice %arg2[%dma_wait3A_106, %dma_wait3A_107] : memref<10112x128xf32, #tpu.memory_space<hbm>> -> memref<10112x128xf32, #tpu.memory_space<hbm>>
        tpu.wait_indirect_dma semaphore(%arg12 : memref<!tpu.dma_semaphore, #tpu.memory_space<semaphore_mem>>) src(%dma_wait3A_108 : memref<10112x128xf32, #tpu.memory_space<hbm>>) dst(%arg10 : memref<128x128xf32, #tpu.memory_space<vmem>>)
        %dma_start3A_109 = arith.constant 0 : i32
        %dma_start3A_110 = tpu.memref_slice %arg8[%add3A_88, %dma_start3A_109] : memref<40x128xi32, #tpu.memory_space<vmem>> -> memref<1x128xi32, #tpu.memory_space<vmem>>
        %dma_start3A_111 = tpu.memref_squeeze %dma_start3A_110 : memref<1x128xi32, #tpu.memory_space<vmem>> -> memref<128xi32, #tpu.memory_space<vmem>>
        %dma_start3A_112 = arith.constant 0 : i32
        %dma_start3A_113 = arith.constant 0 : i32
        %dma_start3A_114 = tpu.memref_slice %arg6[%dma_start3A_112, %dma_start3A_113] : memref<10112x128xf32, #tpu.memory_space<vmem_shared>> -> memref<10112x128xf32, #tpu.memory_space<vmem_shared>>
        tpu.enqueue_indirect_dma source(%arg10 : memref<128x128xf32, #tpu.memory_space<vmem>>) target(%dma_start3A_114 : memref<10112x128xf32, #tpu.memory_space<vmem_shared>>) offsets(%dma_start3A_111 : memref<128xi32, #tpu.memory_space<vmem>>) semaphore(%arg14 : memref<!tpu.dma_semaphore, #tpu.memory_space<semaphore_mem>>) {add = true}
      }
      %scan3A_51 = arith.constant 20 : i32
      %dma_wait3A = arith.constant 39 : i32
      %dma_wait3A_52 = arith.constant 0 : i32
      %dma_wait3A_53 = tpu.memref_slice %arg8[%dma_wait3A, %dma_wait3A_52] : memref<40x128xi32, #tpu.memory_space<vmem>> -> memref<1x128xi32, #tpu.memory_space<vmem>>
      %dma_wait3A_54 = tpu.memref_squeeze %dma_wait3A_53 : memref<1x128xi32, #tpu.memory_space<vmem>> -> memref<128xi32, #tpu.memory_space<vmem>>
      %dma_wait3A_55 = arith.constant 0 : i32
      %dma_wait3A_56 = arith.constant 0 : i32
      %dma_wait3A_57 = tpu.memref_slice %arg6[%dma_wait3A_55, %dma_wait3A_56] : memref<10112x128xf32, #tpu.memory_space<vmem_shared>> -> memref<10112x128xf32, #tpu.memory_space<vmem_shared>>
      tpu.wait_indirect_dma semaphore(%arg14 : memref<!tpu.dma_semaphore, #tpu.memory_space<semaphore_mem>>) src(%arg10 : memref<128x128xf32, #tpu.memory_space<vmem>>) dst(%dma_wait3A_57 : memref<10112x128xf32, #tpu.memory_space<vmem_shared>>)
    }
    %while3A_35 = arith.constant 1 : i32
    scf.for %while3A_37 = %while3A_33 to %while3A_29 step %while3A_35  : i32 {
      %mul3A_38 = arith.constant 40 : i32
      %mul3A_39 = arith.muli %while3A_37, %mul3A_38 : i32
      %add3A_40 = arith.addi %add3A_8, %mul3A_39 : i32
      %multiple_of3A = tpu.assume_multiple %add3A_40, 8 : i32
      "tpu.region"() ({
        %run_scoped3A = tpu.sem_alloc : memref<!tpu.dma_semaphore, #tpu.memory_space<semaphore_mem>>
        %dma_start3A_58 = arith.constant 0 : i32
        %dma_start3A_59 = tpu.memref_slice %arg3[%multiple_of3A, %dma_start3A_58] : memref<2560x128xi32, #tpu.memory_space<hbm>> -> memref<40x128xi32, #tpu.memory_space<hbm>>
        %dma_start3A_60 = arith.constant 0 : i32
        %dma_start3A_61 = tpu.memref_slice %arg3[%multiple_of3A, %dma_start3A_60] : memref<2560x128xi32, #tpu.memory_space<hbm>> -> memref<40x128xi32, #tpu.memory_space<hbm>>
        tpu.enqueue_dma source(%dma_start3A_61 : memref<40x128xi32, #tpu.memory_space<hbm>>) target(%arg7 : memref<40x128xi32, #tpu.memory_space<vmem>>) target_semaphore(%run_scoped3A : memref<!tpu.dma_semaphore, #tpu.memory_space<semaphore_mem>>)
        %dma_wait3A_62 = arith.constant 0 : i32
        %dma_wait3A_63 = tpu.memref_slice %arg3[%multiple_of3A, %dma_wait3A_62] : memref<2560x128xi32, #tpu.memory_space<hbm>> -> memref<40x128xi32, #tpu.memory_space<hbm>>
        %dma_wait3A_64 = arith.constant 0 : i32
        %dma_wait3A_65 = tpu.memref_slice %arg3[%multiple_of3A, %dma_wait3A_64] : memref<2560x128xi32, #tpu.memory_space<hbm>> -> memref<40x128xi32, #tpu.memory_space<hbm>>
        tpu.wait_dma2 semaphore(%run_scoped3A : memref<!tpu.dma_semaphore, #tpu.memory_space<semaphore_mem>>) src(%dma_wait3A_65 : memref<40x128xi32, #tpu.memory_space<hbm>>) dst(%arg7 : memref<40x128xi32, #tpu.memory_space<vmem>>)
        tpu.yield
      }) : () -> ()
      "tpu.region"() ({
        %run_scoped3A = tpu.sem_alloc : memref<!tpu.dma_semaphore, #tpu.memory_space<semaphore_mem>>
        %dma_start3A_58 = arith.constant 0 : i32
        %dma_start3A_59 = tpu.memref_slice %arg4[%multiple_of3A, %dma_start3A_58] : memref<2560x128xi32, #tpu.memory_space<hbm>> -> memref<40x128xi32, #tpu.memory_space<hbm>>
        %dma_start3A_60 = arith.constant 0 : i32
        %dma_start3A_61 = tpu.memref_slice %arg4[%multiple_of3A, %dma_start3A_60] : memref<2560x128xi32, #tpu.memory_space<hbm>> -> memref<40x128xi32, #tpu.memory_space<hbm>>
        tpu.enqueue_dma source(%dma_start3A_61 : memref<40x128xi32, #tpu.memory_space<hbm>>) target(%arg8 : memref<40x128xi32, #tpu.memory_space<vmem>>) target_semaphore(%run_scoped3A : memref<!tpu.dma_semaphore, #tpu.memory_space<semaphore_mem>>)
        %dma_wait3A_62 = arith.constant 0 : i32
        %dma_wait3A_63 = tpu.memref_slice %arg4[%multiple_of3A, %dma_wait3A_62] : memref<2560x128xi32, #tpu.memory_space<hbm>> -> memref<40x128xi32, #tpu.memory_space<hbm>>
        %dma_wait3A_64 = arith.constant 0 : i32
        %dma_wait3A_65 = tpu.memref_slice %arg4[%multiple_of3A, %dma_wait3A_64] : memref<2560x128xi32, #tpu.memory_space<hbm>> -> memref<40x128xi32, #tpu.memory_space<hbm>>
        tpu.wait_dma2 semaphore(%run_scoped3A : memref<!tpu.dma_semaphore, #tpu.memory_space<semaphore_mem>>) src(%dma_wait3A_65 : memref<40x128xi32, #tpu.memory_space<hbm>>) dst(%arg8 : memref<40x128xi32, #tpu.memory_space<vmem>>)
        tpu.yield
      }) : () -> ()
      %dma_start3A = arith.constant 0 : i32
      %dma_start3A_41 = arith.constant 0 : i32
      %dma_start3A_42 = tpu.memref_slice %arg7[%dma_start3A, %dma_start3A_41] : memref<40x128xi32, #tpu.memory_space<vmem>> -> memref<1x128xi32, #tpu.memory_space<vmem>>
      %dma_start3A_43 = tpu.memref_squeeze %dma_start3A_42 : memref<1x128xi32, #tpu.memory_space<vmem>> -> memref<128xi32, #tpu.memory_space<vmem>>
      %dma_start3A_44 = arith.constant 0 : i32
      %dma_start3A_45 = arith.constant 0 : i32
      %dma_start3A_46 = tpu.memref_slice %arg2[%dma_start3A_44, %dma_start3A_45] : memref<10112x128xf32, #tpu.memory_space<hbm>> -> memref<10112x128xf32, #tpu.memory_space<hbm>>
      tpu.enqueue_indirect_dma source(%dma_start3A_46 : memref<10112x128xf32, #tpu.memory_space<hbm>>) target(%arg9 : memref<128x128xf32, #tpu.memory_space<vmem>>) offsets(%dma_start3A_43 : memref<128xi32, #tpu.memory_space<vmem>>) semaphore(%arg11 : memref<!tpu.dma_semaphore, #tpu.memory_space<semaphore_mem>>)
      %scan3A = arith.constant 0 : i32
      %scan3A_47 = arith.constant 0 : i32
      %scan3A_48 = arith.constant 20 : i32
      %scan3A_49 = arith.addi %scan3A_47, %scan3A_48 : i32
      %scan3A_50 = arith.constant 1 : i32
      scf.for %scan3A_58 = %scan3A_47 to %scan3A_49 step %scan3A_50  : i32 {
        %mul3A_59 = arith.constant 2 : i32
        %mul3A_60 = arith.muli %mul3A_59, %scan3A_58 : i32
        %add3A_61 = arith.constant 0 : i32
        %add3A_62 = arith.addi %mul3A_60, %add3A_61 : i32
        %ge3A = arith.constant 1 : i32
        %ge3A_63 = arith.cmpi sge, %add3A_62, %ge3A : i32
        %convert_element_type3A = arith.extui %ge3A_63 : i1 to i32
        %cond3A = arith.constant 0 : i32
        %cond3A_64 = arith.cmpi ne, %convert_element_type3A, %cond3A : i32
        scf.if %cond3A_64 {
          %sub3A_115 = arith.constant 1 : i32
          %sub3A_116 = arith.subi %add3A_62, %sub3A_115 : i32
          %max3A = arith.constant 0 : i32
          %max3A_117 = arith.maxsi %sub3A_116, %max3A : i32
          %dma_wait3A_118 = arith.constant 0 : i32
          %dma_wait3A_119 = tpu.memref_slice %arg8[%max3A_117, %dma_wait3A_118] : memref<40x128xi32, #tpu.memory_space<vmem>> -> memref<1x128xi32, #tpu.memory_space<vmem>>
          %dma_wait3A_120 = tpu.memref_squeeze %dma_wait3A_119 : memref<1x128xi32, #tpu.memory_space<vmem>> -> memref<128xi32, #tpu.memory_space<vmem>>
          %dma_wait3A_121 = arith.constant 0 : i32
          %dma_wait3A_122 = arith.constant 0 : i32
          %dma_wait3A_123 = tpu.memref_slice %arg6[%dma_wait3A_121, %dma_wait3A_122] : memref<10112x128xf32, #tpu.memory_space<vmem_shared>> -> memref<10112x128xf32, #tpu.memory_space<vmem_shared>>
          tpu.wait_indirect_dma semaphore(%arg14 : memref<!tpu.dma_semaphore, #tpu.memory_space<semaphore_mem>>) src(%arg10 : memref<128x128xf32, #tpu.memory_space<vmem>>) dst(%dma_wait3A_123 : memref<10112x128xf32, #tpu.memory_space<vmem_shared>>)
        } else {
        }
        %add3A_65 = arith.constant 2 : i32
        %add3A_66 = arith.addi %add3A_62, %add3A_65 : i32
        %sub3A_67 = arith.constant 1 : i32
        %sub3A_68 = arith.subi %add3A_66, %sub3A_67 : i32
        %lt3A = arith.constant 40 : i32
        %lt3A_69 = arith.cmpi slt, %sub3A_68, %lt3A : i32
        %convert_element_type3A_70 = arith.extui %lt3A_69 : i1 to i32
        %cond3A_71 = arith.constant 0 : i32
        %cond3A_72 = arith.cmpi ne, %convert_element_type3A_70, %cond3A_71 : i32
        scf.if %cond3A_72 {
          %add3A_115 = arith.constant 2 : i32
          %add3A_116 = arith.addi %add3A_62, %add3A_115 : i32
          %sub3A_117 = arith.constant 1 : i32
          %sub3A_118 = arith.subi %add3A_116, %sub3A_117 : i32
          %dma_start3A_119 = arith.constant 0 : i32
          %dma_start3A_120 = tpu.memref_slice %arg7[%sub3A_118, %dma_start3A_119] : memref<40x128xi32, #tpu.memory_space<vmem>> -> memref<1x128xi32, #tpu.memory_space<vmem>>
          %dma_start3A_121 = tpu.memref_squeeze %dma_start3A_120 : memref<1x128xi32, #tpu.memory_space<vmem>> -> memref<128xi32, #tpu.memory_space<vmem>>
          %dma_start3A_122 = arith.constant 0 : i32
          %dma_start3A_123 = arith.constant 0 : i32
          %dma_start3A_124 = tpu.memref_slice %arg2[%dma_start3A_122, %dma_start3A_123] : memref<10112x128xf32, #tpu.memory_space<hbm>> -> memref<10112x128xf32, #tpu.memory_space<hbm>>
          tpu.enqueue_indirect_dma source(%dma_start3A_124 : memref<10112x128xf32, #tpu.memory_space<hbm>>) target(%arg10 : memref<128x128xf32, #tpu.memory_space<vmem>>) offsets(%dma_start3A_121 : memref<128xi32, #tpu.memory_space<vmem>>) semaphore(%arg12 : memref<!tpu.dma_semaphore, #tpu.memory_space<semaphore_mem>>)
        } else {
        }
        %dma_wait3A_73 = arith.constant 0 : i32
        %dma_wait3A_74 = tpu.memref_slice %arg7[%add3A_62, %dma_wait3A_73] : memref<40x128xi32, #tpu.memory_space<vmem>> -> memref<1x128xi32, #tpu.memory_space<vmem>>
        %dma_wait3A_75 = tpu.memref_squeeze %dma_wait3A_74 : memref<1x128xi32, #tpu.memory_space<vmem>> -> memref<128xi32, #tpu.memory_space<vmem>>
        %dma_wait3A_76 = arith.constant 0 : i32
        %dma_wait3A_77 = arith.constant 0 : i32
        %dma_wait3A_78 = tpu.memref_slice %arg2[%dma_wait3A_76, %dma_wait3A_77] : memref<10112x128xf32, #tpu.memory_space<hbm>> -> memref<10112x128xf32, #tpu.memory_space<hbm>>
        tpu.wait_indirect_dma semaphore(%arg11 : memref<!tpu.dma_semaphore, #tpu.memory_space<semaphore_mem>>) src(%dma_wait3A_78 : memref<10112x128xf32, #tpu.memory_space<hbm>>) dst(%arg9 : memref<128x128xf32, #tpu.memory_space<vmem>>)
        %dma_start3A_79 = arith.constant 0 : i32
        %dma_start3A_80 = tpu.memref_slice %arg8[%add3A_62, %dma_start3A_79] : memref<40x128xi32, #tpu.memory_space<vmem>> -> memref<1x128xi32, #tpu.memory_space<vmem>>
        %dma_start3A_81 = tpu.memref_squeeze %dma_start3A_80 : memref<1x128xi32, #tpu.memory_space<vmem>> -> memref<128xi32, #tpu.memory_space<vmem>>
        %dma_start3A_82 = arith.constant 0 : i32
        %dma_start3A_83 = arith.constant 0 : i32
        %dma_start3A_84 = tpu.memref_slice %arg6[%dma_start3A_82, %dma_start3A_83] : memref<10112x128xf32, #tpu.memory_space<vmem_shared>> -> memref<10112x128xf32, #tpu.memory_space<vmem_shared>>
        tpu.enqueue_indirect_dma source(%arg9 : memref<128x128xf32, #tpu.memory_space<vmem>>) target(%dma_start3A_84 : memref<10112x128xf32, #tpu.memory_space<vmem_shared>>) offsets(%dma_start3A_81 : memref<128xi32, #tpu.memory_space<vmem>>) semaphore(%arg13 : memref<!tpu.dma_semaphore, #tpu.memory_space<semaphore_mem>>) {add = true}
        %mul3A_85 = arith.constant 2 : i32
        %mul3A_86 = arith.muli %mul3A_85, %scan3A_58 : i32
        %add3A_87 = arith.constant 1 : i32
        %add3A_88 = arith.addi %mul3A_86, %add3A_87 : i32
        %ge3A_89 = arith.constant 1 : i32
        %ge3A_90 = arith.cmpi sge, %add3A_88, %ge3A_89 : i32
        %convert_element_type3A_91 = arith.extui %ge3A_90 : i1 to i32
        %cond3A_92 = arith.constant 0 : i32
        %cond3A_93 = arith.cmpi ne, %convert_element_type3A_91, %cond3A_92 : i32
        scf.if %cond3A_93 {
          %sub3A_115 = arith.constant 1 : i32
          %sub3A_116 = arith.subi %add3A_88, %sub3A_115 : i32
          %max3A = arith.constant 0 : i32
          %max3A_117 = arith.maxsi %sub3A_116, %max3A : i32
          %dma_wait3A_118 = arith.constant 0 : i32
          %dma_wait3A_119 = tpu.memref_slice %arg8[%max3A_117, %dma_wait3A_118] : memref<40x128xi32, #tpu.memory_space<vmem>> -> memref<1x128xi32, #tpu.memory_space<vmem>>
          %dma_wait3A_120 = tpu.memref_squeeze %dma_wait3A_119 : memref<1x128xi32, #tpu.memory_space<vmem>> -> memref<128xi32, #tpu.memory_space<vmem>>
          %dma_wait3A_121 = arith.constant 0 : i32
          %dma_wait3A_122 = arith.constant 0 : i32
          %dma_wait3A_123 = tpu.memref_slice %arg6[%dma_wait3A_121, %dma_wait3A_122] : memref<10112x128xf32, #tpu.memory_space<vmem_shared>> -> memref<10112x128xf32, #tpu.memory_space<vmem_shared>>
          tpu.wait_indirect_dma semaphore(%arg13 : memref<!tpu.dma_semaphore, #tpu.memory_space<semaphore_mem>>) src(%arg9 : memref<128x128xf32, #tpu.memory_space<vmem>>) dst(%dma_wait3A_123 : memref<10112x128xf32, #tpu.memory_space<vmem_shared>>)
        } else {
        }
        %add3A_94 = arith.constant 2 : i32
        %add3A_95 = arith.addi %add3A_88, %add3A_94 : i32
        %sub3A_96 = arith.constant 1 : i32
        %sub3A_97 = arith.subi %add3A_95, %sub3A_96 : i32
        %lt3A_98 = arith.constant 40 : i32
        %lt3A_99 = arith.cmpi slt, %sub3A_97, %lt3A_98 : i32
        %convert_element_type3A_100 = arith.extui %lt3A_99 : i1 to i32
        %cond3A_101 = arith.constant 0 : i32
        %cond3A_102 = arith.cmpi ne, %convert_element_type3A_100, %cond3A_101 : i32
        scf.if %cond3A_102 {
          %add3A_115 = arith.constant 2 : i32
          %add3A_116 = arith.addi %add3A_88, %add3A_115 : i32
          %sub3A_117 = arith.constant 1 : i32
          %sub3A_118 = arith.subi %add3A_116, %sub3A_117 : i32
          %dma_start3A_119 = arith.constant 0 : i32
          %dma_start3A_120 = tpu.memref_slice %arg7[%sub3A_118, %dma_start3A_119] : memref<40x128xi32, #tpu.memory_space<vmem>> -> memref<1x128xi32, #tpu.memory_space<vmem>>
          %dma_start3A_121 = tpu.memref_squeeze %dma_start3A_120 : memref<1x128xi32, #tpu.memory_space<vmem>> -> memref<128xi32, #tpu.memory_space<vmem>>
          %dma_start3A_122 = arith.constant 0 : i32
          %dma_start3A_123 = arith.constant 0 : i32
          %dma_start3A_124 = tpu.memref_slice %arg2[%dma_start3A_122, %dma_start3A_123] : memref<10112x128xf32, #tpu.memory_space<hbm>> -> memref<10112x128xf32, #tpu.memory_space<hbm>>
          tpu.enqueue_indirect_dma source(%dma_start3A_124 : memref<10112x128xf32, #tpu.memory_space<hbm>>) target(%arg9 : memref<128x128xf32, #tpu.memory_space<vmem>>) offsets(%dma_start3A_121 : memref<128xi32, #tpu.memory_space<vmem>>) semaphore(%arg11 : memref<!tpu.dma_semaphore, #tpu.memory_space<semaphore_mem>>)
        } else {
        }
        %dma_wait3A_103 = arith.constant 0 : i32
        %dma_wait3A_104 = tpu.memref_slice %arg7[%add3A_88, %dma_wait3A_103] : memref<40x128xi32, #tpu.memory_space<vmem>> -> memref<1x128xi32, #tpu.memory_space<vmem>>
        %dma_wait3A_105 = tpu.memref_squeeze %dma_wait3A_104 : memref<1x128xi32, #tpu.memory_space<vmem>> -> memref<128xi32, #tpu.memory_space<vmem>>
        %dma_wait3A_106 = arith.constant 0 : i32
        %dma_wait3A_107 = arith.constant 0 : i32
        %dma_wait3A_108 = tpu.memref_slice %arg2[%dma_wait3A_106, %dma_wait3A_107] : memref<10112x128xf32, #tpu.memory_space<hbm>> -> memref<10112x128xf32, #tpu.memory_space<hbm>>
        tpu.wait_indirect_dma semaphore(%arg12 : memref<!tpu.dma_semaphore, #tpu.memory_space<semaphore_mem>>) src(%dma_wait3A_108 : memref<10112x128xf32, #tpu.memory_space<hbm>>) dst(%arg10 : memref<128x128xf32, #tpu.memory_space<vmem>>)
        %dma_start3A_109 = arith.constant 0 : i32
        %dma_start3A_110 = tpu.memref_slice %arg8[%add3A_88, %dma_start3A_109] : memref<40x128xi32, #tpu.memory_space<vmem>> -> memref<1x128xi32, #tpu.memory_space<vmem>>
        %dma_start3A_111 = tpu.memref_squeeze %dma_start3A_110 : memref<1x128xi32, #tpu.memory_space<vmem>> -> memref<128xi32, #tpu.memory_space<vmem>>
        %dma_start3A_112 = arith.constant 0 : i32
        %dma_start3A_113 = arith.constant 0 : i32
        %dma_start3A_114 = tpu.memref_slice %arg6[%dma_start3A_112, %dma_start3A_113] : memref<10112x128xf32, #tpu.memory_space<vmem_shared>> -> memref<10112x128xf32, #tpu.memory_space<vmem_shared>>
        tpu.enqueue_indirect_dma source(%arg10 : memref<128x128xf32, #tpu.memory_space<vmem>>) target(%dma_start3A_114 : memref<10112x128xf32, #tpu.memory_space<vmem_shared>>) offsets(%dma_start3A_111 : memref<128xi32, #tpu.memory_space<vmem>>) semaphore(%arg14 : memref<!tpu.dma_semaphore, #tpu.memory_space<semaphore_mem>>) {add = true}
      }
      %scan3A_51 = arith.constant 20 : i32
      %dma_wait3A = arith.constant 39 : i32
      %dma_wait3A_52 = arith.constant 0 : i32
      %dma_wait3A_53 = tpu.memref_slice %arg8[%dma_wait3A, %dma_wait3A_52] : memref<40x128xi32, #tpu.memory_space<vmem>> -> memref<1x128xi32, #tpu.memory_space<vmem>>
      %dma_wait3A_54 = tpu.memref_squeeze %dma_wait3A_53 : memref<1x128xi32, #tpu.memory_space<vmem>> -> memref<128xi32, #tpu.memory_space<vmem>>
      %dma_wait3A_55 = arith.constant 0 : i32
      %dma_wait3A_56 = arith.constant 0 : i32
      %dma_wait3A_57 = tpu.memref_slice %arg6[%dma_wait3A_55, %dma_wait3A_56] : memref<10112x128xf32, #tpu.memory_space<vmem_shared>> -> memref<10112x128xf32, #tpu.memory_space<vmem_shared>>
      tpu.wait_indirect_dma semaphore(%arg14 : memref<!tpu.dma_semaphore, #tpu.memory_space<semaphore_mem>>) src(%arg10 : memref<128x128xf32, #tpu.memory_space<vmem>>) dst(%dma_wait3A_57 : memref<10112x128xf32, #tpu.memory_space<vmem_shared>>)
    }
    %barrier3A_36 = arith.constant 0 : index
    tpu.barrier barrier_id(%barrier3A_36)
    "tpu.region"() ({
      %run_scoped3A = tpu.sem_alloc : memref<!tpu.dma_semaphore, #tpu.memory_space<semaphore_mem>>
      %dma_start3A = arith.constant 0 : i32
      %dma_start3A_37 = tpu.memref_slice %arg5[%arg0, %mul3A_2, %dma_start3A] : memref<2x10112x128xf32, #tpu.memory_space<hbm>> -> memref<1x632x128xf32, #tpu.memory_space<hbm>>
      %dma_start3A_38 = tpu.memref_squeeze %dma_start3A_37 : memref<1x632x128xf32, #tpu.memory_space<hbm>> -> memref<632x128xf32, #tpu.memory_space<hbm>>
      %dma_start3A_39 = arith.constant 0 : i32
      %dma_start3A_40 = tpu.memref_slice %arg6[%mul3A_2, %dma_start3A_39] : memref<10112x128xf32, #tpu.memory_space<vmem_shared>> -> memref<632x128xf32, #tpu.memory_space<vmem_shared>>
      tpu.enqueue_dma source(%dma_start3A_40 : memref<632x128xf32, #tpu.memory_space<vmem_shared>>) target(%dma_start3A_38 : memref<632x128xf32, #tpu.memory_space<hbm>>) target_semaphore(%run_scoped3A : memref<!tpu.dma_semaphore, #tpu.memory_space<semaphore_mem>>)
      %dma_wait3A = arith.constant 0 : i32
      %dma_wait3A_41 = tpu.memref_slice %arg5[%arg0, %mul3A_2, %dma_wait3A] : memref<2x10112x128xf32, #tpu.memory_space<hbm>> -> memref<1x632x128xf32, #tpu.memory_space<hbm>>
      %dma_wait3A_42 = tpu.memref_squeeze %dma_wait3A_41 : memref<1x632x128xf32, #tpu.memory_space<hbm>> -> memref<632x128xf32, #tpu.memory_space<hbm>>
      %dma_wait3A_43 = arith.constant 0 : i32
      %dma_wait3A_44 = tpu.memref_slice %arg6[%mul3A_2, %dma_wait3A_43] : memref<10112x128xf32, #tpu.memory_space<vmem_shared>> -> memref<632x128xf32, #tpu.memory_space<vmem_shared>>
      tpu.wait_dma2 semaphore(%run_scoped3A : memref<!tpu.dma_semaphore, #tpu.memory_space<semaphore_mem>>) src(%dma_wait3A_44 : memref<632x128xf32, #tpu.memory_space<vmem_shared>>) dst(%dma_wait3A_42 : memref<632x128xf32, #tpu.memory_space<hbm>>)
      tpu.yield
    }) : () -> ()
    return
  }
}

#map = affine_map<(d0, d1) -> (0, 0)>
#map1 = affine_map<(d0, d1) -> (0, 0, 0)>
module attributes {stable_mosaic.version = 14 : i64} {
  func.func @_deg_partials(%arg0: i32, %arg1: i32, %arg2: memref<2560x128xi32, #tpu.memory_space<hbm>>, %arg3: memref<2x10112x16xf32, #tpu.memory_space<hbm>>, %arg4: memref<10112x16xf32, #tpu.memory_space<vmem_shared>>, %arg5: memref<80x128xi32, #tpu.memory_space<vmem>>, %arg6: memref<128x16xf32, #tpu.memory_space<vmem>>) attributes {dimension_semantics = [#tpu.dimension_semantics<core_parallel>, #tpu.dimension_semantics<subcore_parallel>], iteration_bounds = array<i64: 2, 16>, scalar_prefetch = 0 : i64, scratch_operands = 3 : i64, tpu.core_type = #tpu.core_type<sc_vector_subcore>, window_params = [{transform_indices = #map}, {transform_indices = #map1}]} {
    %mul3A = arith.constant 16 : i32
    %mul3A_0 = arith.muli %arg0, %mul3A : i32
    %add3A = arith.addi %mul3A_0, %arg1 : i32
    %mul3A_1 = arith.constant 632 : i32
    %mul3A_2 = arith.muli %arg1, %mul3A_1 : i32
    %broadcast_in_dim3A = arith.constant 0.000000e+00 : f32
    %broadcast_in_dim3A_3 = vector.broadcast %broadcast_in_dim3A : f32 to vector<16xf32>
    %scan3A = arith.constant 0 : i32
    %scan3A_4 = arith.constant 0 : i32
    %scan3A_5 = arith.constant 128 : i32
    %scan3A_6 = arith.addi %scan3A_4, %scan3A_5 : i32
    %scan3A_7 = arith.constant 1 : i32
    scf.for %scan3A_36 = %scan3A_4 to %scan3A_6 step %scan3A_7  : i32 {
      %swap3A = arith.index_cast %scan3A_36 : i32 to index
      %swap3A_37 = arith.constant 0 : index
      %swap3A_38 = tpu.vector_load %arg6[%swap3A, %swap3A_37] {strides = array<i32>} : memref<128x16xf32, #tpu.memory_space<vmem>>, vector<1x16xf32>,
      %swap3A_39 = vector.shape_cast %swap3A_38 : vector<1x16xf32> to vector<16xf32>
      %swap3A_40 = vector.shape_cast %broadcast_in_dim3A_3 : vector<16xf32> to vector<1x16xf32>
      tpu.vector_store %arg6[%swap3A, %swap3A_37], %swap3A_40 {strides = array<i32>} : memref<128x16xf32, #tpu.memory_space<vmem>>, vector<1x16xf32>,
    }
    %scan3A_8 = arith.constant 128 : i32
    %add3A_9 = arith.constant 0 : i32
    %add3A_10 = arith.addi %mul3A_2, %add3A_9 : i32
    "tpu.region"() ({
      %run_scoped3A = tpu.sem_alloc : memref<!tpu.dma_semaphore, #tpu.memory_space<semaphore_mem>>
      %dma_start3A = arith.constant 0 : i32
      %dma_start3A_36 = tpu.memref_slice %arg4[%add3A_10, %dma_start3A] : memref<10112x16xf32, #tpu.memory_space<vmem_shared>> -> memref<128x16xf32, #tpu.memory_space<vmem_shared>>
      %dma_start3A_37 = arith.constant 0 : i32
      %dma_start3A_38 = tpu.memref_slice %arg4[%add3A_10, %dma_start3A_37] : memref<10112x16xf32, #tpu.memory_space<vmem_shared>> -> memref<128x16xf32, #tpu.memory_space<vmem_shared>>
      tpu.enqueue_dma source(%arg6 : memref<128x16xf32, #tpu.memory_space<vmem>>) target(%dma_start3A_38 : memref<128x16xf32, #tpu.memory_space<vmem_shared>>) target_semaphore(%run_scoped3A : memref<!tpu.dma_semaphore, #tpu.memory_space<semaphore_mem>>)
      %dma_wait3A = arith.constant 0 : i32
      %dma_wait3A_39 = tpu.memref_slice %arg4[%add3A_10, %dma_wait3A] : memref<10112x16xf32, #tpu.memory_space<vmem_shared>> -> memref<128x16xf32, #tpu.memory_space<vmem_shared>>
      %dma_wait3A_40 = arith.constant 0 : i32
      %dma_wait3A_41 = tpu.memref_slice %arg4[%add3A_10, %dma_wait3A_40] : memref<10112x16xf32, #tpu.memory_space<vmem_shared>> -> memref<128x16xf32, #tpu.memory_space<vmem_shared>>
      tpu.wait_dma2 semaphore(%run_scoped3A : memref<!tpu.dma_semaphore, #tpu.memory_space<semaphore_mem>>) src(%arg6 : memref<128x16xf32, #tpu.memory_space<vmem>>) dst(%dma_wait3A_41 : memref<128x16xf32, #tpu.memory_space<vmem_shared>>)
      tpu.yield
    }) : () -> ()
    %add3A_11 = arith.constant 128 : i32
    %add3A_12 = arith.addi %mul3A_2, %add3A_11 : i32
    "tpu.region"() ({
      %run_scoped3A = tpu.sem_alloc : memref<!tpu.dma_semaphore, #tpu.memory_space<semaphore_mem>>
      %dma_start3A = arith.constant 0 : i32
      %dma_start3A_36 = tpu.memref_slice %arg4[%add3A_12, %dma_start3A] : memref<10112x16xf32, #tpu.memory_space<vmem_shared>> -> memref<128x16xf32, #tpu.memory_space<vmem_shared>>
      %dma_start3A_37 = arith.constant 0 : i32
      %dma_start3A_38 = tpu.memref_slice %arg4[%add3A_12, %dma_start3A_37] : memref<10112x16xf32, #tpu.memory_space<vmem_shared>> -> memref<128x16xf32, #tpu.memory_space<vmem_shared>>
      tpu.enqueue_dma source(%arg6 : memref<128x16xf32, #tpu.memory_space<vmem>>) target(%dma_start3A_38 : memref<128x16xf32, #tpu.memory_space<vmem_shared>>) target_semaphore(%run_scoped3A : memref<!tpu.dma_semaphore, #tpu.memory_space<semaphore_mem>>)
      %dma_wait3A = arith.constant 0 : i32
      %dma_wait3A_39 = tpu.memref_slice %arg4[%add3A_12, %dma_wait3A] : memref<10112x16xf32, #tpu.memory_space<vmem_shared>> -> memref<128x16xf32, #tpu.memory_space<vmem_shared>>
      %dma_wait3A_40 = arith.constant 0 : i32
      %dma_wait3A_41 = tpu.memref_slice %arg4[%add3A_12, %dma_wait3A_40] : memref<10112x16xf32, #tpu.memory_space<vmem_shared>> -> memref<128x16xf32, #tpu.memory_space<vmem_shared>>
      tpu.wait_dma2 semaphore(%run_scoped3A : memref<!tpu.dma_semaphore, #tpu.memory_space<semaphore_mem>>) src(%arg6 : memref<128x16xf32, #tpu.memory_space<vmem>>) dst(%dma_wait3A_41 : memref<128x16xf32, #tpu.memory_space<vmem_shared>>)
      tpu.yield
    }) : () -> ()
    %add3A_13 = arith.constant 256 : i32
    %add3A_14 = arith.addi %mul3A_2, %add3A_13 : i32
    "tpu.region"() ({
      %run_scoped3A = tpu.sem_alloc : memref<!tpu.dma_semaphore, #tpu.memory_space<semaphore_mem>>
      %dma_start3A = arith.constant 0 : i32
      %dma_start3A_36 = tpu.memref_slice %arg4[%add3A_14, %dma_start3A] : memref<10112x16xf32, #tpu.memory_space<vmem_shared>> -> memref<128x16xf32, #tpu.memory_space<vmem_shared>>
      %dma_start3A_37 = arith.constant 0 : i32
      %dma_start3A_38 = tpu.memref_slice %arg4[%add3A_14, %dma_start3A_37] : memref<10112x16xf32, #tpu.memory_space<vmem_shared>> -> memref<128x16xf32, #tpu.memory_space<vmem_shared>>
      tpu.enqueue_dma source(%arg6 : memref<128x16xf32, #tpu.memory_space<vmem>>) target(%dma_start3A_38 : memref<128x16xf32, #tpu.memory_space<vmem_shared>>) target_semaphore(%run_scoped3A : memref<!tpu.dma_semaphore, #tpu.memory_space<semaphore_mem>>)
      %dma_wait3A = arith.constant 0 : i32
      %dma_wait3A_39 = tpu.memref_slice %arg4[%add3A_14, %dma_wait3A] : memref<10112x16xf32, #tpu.memory_space<vmem_shared>> -> memref<128x16xf32, #tpu.memory_space<vmem_shared>>
      %dma_wait3A_40 = arith.constant 0 : i32
      %dma_wait3A_41 = tpu.memref_slice %arg4[%add3A_14, %dma_wait3A_40] : memref<10112x16xf32, #tpu.memory_space<vmem_shared>> -> memref<128x16xf32, #tpu.memory_space<vmem_shared>>
      tpu.wait_dma2 semaphore(%run_scoped3A : memref<!tpu.dma_semaphore, #tpu.memory_space<semaphore_mem>>) src(%arg6 : memref<128x16xf32, #tpu.memory_space<vmem>>) dst(%dma_wait3A_41 : memref<128x16xf32, #tpu.memory_space<vmem_shared>>)
      tpu.yield
    }) : () -> ()
    %add3A_15 = arith.constant 384 : i32
    %add3A_16 = arith.addi %mul3A_2, %add3A_15 : i32
    "tpu.region"() ({
      %run_scoped3A = tpu.sem_alloc : memref<!tpu.dma_semaphore, #tpu.memory_space<semaphore_mem>>
      %dma_start3A = arith.constant 0 : i32
      %dma_start3A_36 = tpu.memref_slice %arg4[%add3A_16, %dma_start3A] : memref<10112x16xf32, #tpu.memory_space<vmem_shared>> -> memref<128x16xf32, #tpu.memory_space<vmem_shared>>
      %dma_start3A_37 = arith.constant 0 : i32
      %dma_start3A_38 = tpu.memref_slice %arg4[%add3A_16, %dma_start3A_37] : memref<10112x16xf32, #tpu.memory_space<vmem_shared>> -> memref<128x16xf32, #tpu.memory_space<vmem_shared>>
      tpu.enqueue_dma source(%arg6 : memref<128x16xf32, #tpu.memory_space<vmem>>) target(%dma_start3A_38 : memref<128x16xf32, #tpu.memory_space<vmem_shared>>) target_semaphore(%run_scoped3A : memref<!tpu.dma_semaphore, #tpu.memory_space<semaphore_mem>>)
      %dma_wait3A = arith.constant 0 : i32
      %dma_wait3A_39 = tpu.memref_slice %arg4[%add3A_16, %dma_wait3A] : memref<10112x16xf32, #tpu.memory_space<vmem_shared>> -> memref<128x16xf32, #tpu.memory_space<vmem_shared>>
      %dma_wait3A_40 = arith.constant 0 : i32
      %dma_wait3A_41 = tpu.memref_slice %arg4[%add3A_16, %dma_wait3A_40] : memref<10112x16xf32, #tpu.memory_space<vmem_shared>> -> memref<128x16xf32, #tpu.memory_space<vmem_shared>>
      tpu.wait_dma2 semaphore(%run_scoped3A : memref<!tpu.dma_semaphore, #tpu.memory_space<semaphore_mem>>) src(%arg6 : memref<128x16xf32, #tpu.memory_space<vmem>>) dst(%dma_wait3A_41 : memref<128x16xf32, #tpu.memory_space<vmem_shared>>)
      tpu.yield
    }) : () -> ()
    %add3A_17 = arith.constant 512 : i32
    %add3A_18 = arith.addi %mul3A_2, %add3A_17 : i32
    "tpu.region"() ({
      %run_scoped3A = tpu.sem_alloc : memref<!tpu.dma_semaphore, #tpu.memory_space<semaphore_mem>>
      %dma_start3A = arith.constant 0 : i32
      %dma_start3A_36 = arith.constant 0 : i32
      %dma_start3A_37 = tpu.memref_slice %arg6[%dma_start3A, %dma_start3A_36] : memref<128x16xf32, #tpu.memory_space<vmem>> -> memref<120x16xf32, #tpu.memory_space<vmem>>
      %dma_start3A_38 = arith.constant 0 : i32
      %dma_start3A_39 = tpu.memref_slice %arg4[%add3A_18, %dma_start3A_38] : memref<10112x16xf32, #tpu.memory_space<vmem_shared>> -> memref<120x16xf32, #tpu.memory_space<vmem_shared>>
      %dma_start3A_40 = arith.constant 0 : i32
      %dma_start3A_41 = tpu.memref_slice %arg4[%add3A_18, %dma_start3A_40] : memref<10112x16xf32, #tpu.memory_space<vmem_shared>> -> memref<120x16xf32, #tpu.memory_space<vmem_shared>>
      %dma_start3A_42 = arith.constant 0 : i32
      %dma_start3A_43 = arith.constant 0 : i32
      %dma_start3A_44 = tpu.memref_slice %arg6[%dma_start3A_42, %dma_start3A_43] : memref<128x16xf32, #tpu.memory_space<vmem>> -> memref<120x16xf32, #tpu.memory_space<vmem>>
      tpu.enqueue_dma source(%dma_start3A_44 : memref<120x16xf32, #tpu.memory_space<vmem>>) target(%dma_start3A_41 : memref<120x16xf32, #tpu.memory_space<vmem_shared>>) target_semaphore(%run_scoped3A : memref<!tpu.dma_semaphore, #tpu.memory_space<semaphore_mem>>)
      %dma_wait3A = arith.constant 0 : i32
      %dma_wait3A_45 = arith.constant 0 : i32
      %dma_wait3A_46 = tpu.memref_slice %arg6[%dma_wait3A, %dma_wait3A_45] : memref<128x16xf32, #tpu.memory_space<vmem>> -> memref<120x16xf32, #tpu.memory_space<vmem>>
      %dma_wait3A_47 = arith.constant 0 : i32
      %dma_wait3A_48 = tpu.memref_slice %arg4[%add3A_18, %dma_wait3A_47] : memref<10112x16xf32, #tpu.memory_space<vmem_shared>> -> memref<120x16xf32, #tpu.memory_space<vmem_shared>>
      %dma_wait3A_49 = arith.constant 0 : i32
      %dma_wait3A_50 = tpu.memref_slice %arg4[%add3A_18, %dma_wait3A_49] : memref<10112x16xf32, #tpu.memory_space<vmem_shared>> -> memref<120x16xf32, #tpu.memory_space<vmem_shared>>
      %dma_wait3A_51 = arith.constant 0 : i32
      %dma_wait3A_52 = arith.constant 0 : i32
      %dma_wait3A_53 = tpu.memref_slice %arg6[%dma_wait3A_51, %dma_wait3A_52] : memref<128x16xf32, #tpu.memory_space<vmem>> -> memref<120x16xf32, #tpu.memory_space<vmem>>
      tpu.wait_dma2 semaphore(%run_scoped3A : memref<!tpu.dma_semaphore, #tpu.memory_space<semaphore_mem>>) src(%dma_wait3A_53 : memref<120x16xf32, #tpu.memory_space<vmem>>) dst(%dma_wait3A_50 : memref<120x16xf32, #tpu.memory_space<vmem_shared>>)
      tpu.yield
    }) : () -> ()
    %mul3A_19 = arith.constant 80 : i32
    %mul3A_20 = arith.muli %add3A, %mul3A_19 : i32
    "tpu.region"() ({
      %run_scoped3A = tpu.sem_alloc : memref<!tpu.dma_semaphore, #tpu.memory_space<semaphore_mem>>
      %dma_start3A = arith.constant 0 : i32
      %dma_start3A_36 = tpu.memref_slice %arg2[%mul3A_20, %dma_start3A] : memref<2560x128xi32, #tpu.memory_space<hbm>> -> memref<80x128xi32, #tpu.memory_space<hbm>>
      %dma_start3A_37 = arith.constant 0 : i32
      %dma_start3A_38 = tpu.memref_slice %arg2[%mul3A_20, %dma_start3A_37] : memref<2560x128xi32, #tpu.memory_space<hbm>> -> memref<80x128xi32, #tpu.memory_space<hbm>>
      tpu.enqueue_dma source(%dma_start3A_38 : memref<80x128xi32, #tpu.memory_space<hbm>>) target(%arg5 : memref<80x128xi32, #tpu.memory_space<vmem>>) target_semaphore(%run_scoped3A : memref<!tpu.dma_semaphore, #tpu.memory_space<semaphore_mem>>)
      %dma_wait3A = arith.constant 0 : i32
      %dma_wait3A_39 = tpu.memref_slice %arg2[%mul3A_20, %dma_wait3A] : memref<2560x128xi32, #tpu.memory_space<hbm>> -> memref<80x128xi32, #tpu.memory_space<hbm>>
      %dma_wait3A_40 = arith.constant 0 : i32
      %dma_wait3A_41 = tpu.memref_slice %arg2[%mul3A_20, %dma_wait3A_40] : memref<2560x128xi32, #tpu.memory_space<hbm>> -> memref<80x128xi32, #tpu.memory_space<hbm>>
      tpu.wait_dma2 semaphore(%run_scoped3A : memref<!tpu.dma_semaphore, #tpu.memory_space<semaphore_mem>>) src(%dma_wait3A_41 : memref<80x128xi32, #tpu.memory_space<hbm>>) dst(%arg5 : memref<80x128xi32, #tpu.memory_space<vmem>>)
      tpu.yield
    }) : () -> ()
    %barrier3A = arith.constant 0 : index
    tpu.barrier barrier_id(%barrier3A)
    %broadcast_in_dim3A_21 = arith.constant 1.000000e+00 : f32
    %broadcast_in_dim3A_22 = vector.broadcast %broadcast_in_dim3A_21 : f32 to vector<16xf32>
    %scan3A_23 = arith.constant 0 : i32
    %scan3A_24 = arith.constant 0 : i32
    %scan3A_25 = arith.constant 128 : i32
    %scan3A_26 = arith.addi %scan3A_24, %scan3A_25 : i32
    %scan3A_27 = arith.constant 1 : i32
    scf.for %scan3A_36 = %scan3A_24 to %scan3A_26 step %scan3A_27  : i32 {
      %swap3A = arith.index_cast %scan3A_36 : i32 to index
      %swap3A_37 = arith.constant 0 : index
      %swap3A_38 = tpu.vector_load %arg6[%swap3A, %swap3A_37] {strides = array<i32>} : memref<128x16xf32, #tpu.memory_space<vmem>>, vector<1x16xf32>,
      %swap3A_39 = vector.shape_cast %swap3A_38 : vector<1x16xf32> to vector<16xf32>
      %swap3A_40 = vector.shape_cast %broadcast_in_dim3A_22 : vector<16xf32> to vector<1x16xf32>
      tpu.vector_store %arg6[%swap3A, %swap3A_37], %swap3A_40 {strides = array<i32>} : memref<128x16xf32, #tpu.memory_space<vmem>>, vector<1x16xf32>,
    }
    %scan3A_28 = arith.constant 128 : i32
    %scan3A_29 = arith.constant 0 : i32
    %scan3A_30 = arith.constant 0 : i32
    %scan3A_31 = arith.constant 80 : i32
    %scan3A_32 = arith.addi %scan3A_30, %scan3A_31 : i32
    %scan3A_33 = arith.constant 1 : i32
    scf.for %scan3A_36 = %scan3A_30 to %scan3A_32 step %scan3A_33  : i32 {
      "tpu.region"() ({
        %run_scoped3A = tpu.sem_alloc : memref<!tpu.dma_semaphore, #tpu.memory_space<semaphore_mem>>
        %dma_start3A = arith.constant 0 : i32
        %dma_start3A_37 = tpu.memref_slice %arg5[%scan3A_36, %dma_start3A] : memref<80x128xi32, #tpu.memory_space<vmem>> -> memref<1x128xi32, #tpu.memory_space<vmem>>
        %dma_start3A_38 = tpu.memref_squeeze %dma_start3A_37 : memref<1x128xi32, #tpu.memory_space<vmem>> -> memref<128xi32, #tpu.memory_space<vmem>>
        %dma_start3A_39 = arith.constant 0 : i32
        %dma_start3A_40 = arith.constant 0 : i32
        %dma_start3A_41 = tpu.memref_slice %arg4[%dma_start3A_39, %dma_start3A_40] : memref<10112x16xf32, #tpu.memory_space<vmem_shared>> -> memref<10112x16xf32, #tpu.memory_space<vmem_shared>>
        tpu.enqueue_indirect_dma source(%arg6 : memref<128x16xf32, #tpu.memory_space<vmem>>) target(%dma_start3A_41 : memref<10112x16xf32, #tpu.memory_space<vmem_shared>>) offsets(%dma_start3A_38 : memref<128xi32, #tpu.memory_space<vmem>>) semaphore(%run_scoped3A : memref<!tpu.dma_semaphore, #tpu.memory_space<semaphore_mem>>) {add = true}
        %dma_wait3A = arith.constant 0 : i32
        %dma_wait3A_42 = tpu.memref_slice %arg5[%scan3A_36, %dma_wait3A] : memref<80x128xi32, #tpu.memory_space<vmem>> -> memref<1x128xi32, #tpu.memory_space<vmem>>
        %dma_wait3A_43 = tpu.memref_squeeze %dma_wait3A_42 : memref<1x128xi32, #tpu.memory_space<vmem>> -> memref<128xi32, #tpu.memory_space<vmem>>
        %dma_wait3A_44 = arith.constant 0 : i32
        %dma_wait3A_45 = arith.constant 0 : i32
        %dma_wait3A_46 = tpu.memref_slice %arg4[%dma_wait3A_44, %dma_wait3A_45] : memref<10112x16xf32, #tpu.memory_space<vmem_shared>> -> memref<10112x16xf32, #tpu.memory_space<vmem_shared>>
        tpu.wait_indirect_dma semaphore(%run_scoped3A : memref<!tpu.dma_semaphore, #tpu.memory_space<semaphore_mem>>) src(%arg6 : memref<128x16xf32, #tpu.memory_space<vmem>>) dst(%dma_wait3A_46 : memref<10112x16xf32, #tpu.memory_space<vmem_shared>>)
        tpu.yield
      }) : () -> ()
    }
    %scan3A_34 = arith.constant 80 : i32
    %barrier3A_35 = arith.constant 0 : index
    tpu.barrier barrier_id(%barrier3A_35)
    "tpu.region"() ({
      %run_scoped3A = tpu.sem_alloc : memref<!tpu.dma_semaphore, #tpu.memory_space<semaphore_mem>>
      %dma_start3A = arith.constant 0 : i32
      %dma_start3A_36 = tpu.memref_slice %arg3[%arg0, %mul3A_2, %dma_start3A] : memref<2x10112x16xf32, #tpu.memory_space<hbm>> -> memref<1x632x16xf32, #tpu.memory_space<hbm>>
      %dma_start3A_37 = tpu.memref_squeeze %dma_start3A_36 : memref<1x632x16xf32, #tpu.memory_space<hbm>> -> memref<632x16xf32, #tpu.memory_space<hbm>>
      %dma_start3A_38 = arith.constant 0 : i32
      %dma_start3A_39 = tpu.memref_slice %arg4[%mul3A_2, %dma_start3A_38] : memref<10112x16xf32, #tpu.memory_space<vmem_shared>> -> memref<632x16xf32, #tpu.memory_space<vmem_shared>>
      tpu.enqueue_dma source(%dma_start3A_39 : memref<632x16xf32, #tpu.memory_space<vmem_shared>>) target(%dma_start3A_37 : memref<632x16xf32, #tpu.memory_space<hbm>>) target_semaphore(%run_scoped3A : memref<!tpu.dma_semaphore, #tpu.memory_space<semaphore_mem>>)
      %dma_wait3A = arith.constant 0 : i32
      %dma_wait3A_40 = tpu.memref_slice %arg3[%arg0, %mul3A_2, %dma_wait3A] : memref<2x10112x16xf32, #tpu.memory_space<hbm>> -> memref<1x632x16xf32, #tpu.memory_space<hbm>>
      %dma_wait3A_41 = tpu.memref_squeeze %dma_wait3A_40 : memref<1x632x16xf32, #tpu.memory_space<hbm>> -> memref<632x16xf32, #tpu.memory_space<hbm>>
      %dma_wait3A_42 = arith.constant 0 : i32
      %dma_wait3A_43 = tpu.memref_slice %arg4[%mul3A_2, %dma_wait3A_42] : memref<10112x16xf32, #tpu.memory_space<vmem_shared>> -> memref<632x16xf32, #tpu.memory_space<vmem_shared>>
      tpu.wait_dma2 semaphore(%run_scoped3A : memref<!tpu.dma_semaphore, #tpu.memory_space<semaphore_mem>>) src(%dma_wait3A_43 : memref<632x16xf32, #tpu.memory_space<vmem_shared>>) dst(%dma_wait3A_41 : memref<632x16xf32, #tpu.memory_space<hbm>>)
      tpu.yield
    }) : () -> ()
    return
  }
}

#map = affine_map<(d0, d1) -> (0, 0)>
#map1 = affine_map<(d0, d1) -> (0, 0, 0)>
module attributes {stable_mosaic.version = 14 : i64} {
  func.func @_agg_partials(%arg0: i32, %arg1: i32, %arg2: memref<10112x128xf32, #tpu.memory_space<hbm>>, %arg3: memref<2560x128xi32, #tpu.memory_space<hbm>>, %arg4: memref<2560x128xi32, #tpu.memory_space<hbm>>, %arg5: memref<2x10112x128xf32, #tpu.memory_space<hbm>>, %arg6: memref<10112x128xf32, #tpu.memory_space<vmem_shared>>, %arg7: memref<40x128xi32, #tpu.memory_space<vmem>>, %arg8: memref<40x128xi32, #tpu.memory_space<vmem>>, %arg9: memref<128x128xf32, #tpu.memory_space<vmem>>, %arg10: memref<128x128xf32, #tpu.memory_space<vmem>>, %arg11: memref<!tpu.dma_semaphore, #tpu.memory_space<semaphore_mem>>, %arg12: memref<!tpu.dma_semaphore, #tpu.memory_space<semaphore_mem>>, %arg13: memref<!tpu.dma_semaphore, #tpu.memory_space<semaphore_mem>>, %arg14: memref<!tpu.dma_semaphore, #tpu.memory_space<semaphore_mem>>) attributes {dimension_semantics = [#tpu.dimension_semantics<core_parallel>, #tpu.dimension_semantics<subcore_parallel>], iteration_bounds = array<i64: 2, 16>, scalar_prefetch = 0 : i64, scratch_operands = 9 : i64, tpu.core_type = #tpu.core_type<sc_vector_subcore>, window_params = [{transform_indices = #map}, {transform_indices = #map}, {transform_indices = #map}, {transform_indices = #map1}]} {
    %mul3A = arith.constant 16 : i32
    %mul3A_0 = arith.muli %arg0, %mul3A : i32
    %add3A = arith.addi %mul3A_0, %arg1 : i32
    %mul3A_1 = arith.constant 632 : i32
    %mul3A_2 = arith.muli %arg1, %mul3A_1 : i32
    "tpu.region"() ({
      %run_scoped3A = tpu.sem_alloc : memref<!tpu.dma_semaphore, #tpu.memory_space<semaphore_mem>>
      %dma_start3A = arith.constant 0 : i32
      %dma_start3A_37 = tpu.memref_slice %arg6[%mul3A_2, %dma_start3A] : memref<10112x128xf32, #tpu.memory_space<vmem_shared>> -> memref<632x128xf32, #tpu.memory_space<vmem_shared>>
      %dma_start3A_38 = arith.constant 0 : i32
      %dma_start3A_39 = tpu.memref_slice %arg2[%mul3A_2, %dma_start3A_38] : memref<10112x128xf32, #tpu.memory_space<hbm>> -> memref<632x128xf32, #tpu.memory_space<hbm>>
      tpu.enqueue_dma source(%dma_start3A_39 : memref<632x128xf32, #tpu.memory_space<hbm>>) target(%dma_start3A_37 : memref<632x128xf32, #tpu.memory_space<vmem_shared>>) target_semaphore(%run_scoped3A : memref<!tpu.dma_semaphore, #tpu.memory_space<semaphore_mem>>)
      %dma_wait3A = arith.constant 0 : i32
      %dma_wait3A_40 = tpu.memref_slice %arg6[%mul3A_2, %dma_wait3A] : memref<10112x128xf32, #tpu.memory_space<vmem_shared>> -> memref<632x128xf32, #tpu.memory_space<vmem_shared>>
      %dma_wait3A_41 = arith.constant 0 : i32
      %dma_wait3A_42 = tpu.memref_slice %arg2[%mul3A_2, %dma_wait3A_41] : memref<10112x128xf32, #tpu.memory_space<hbm>> -> memref<632x128xf32, #tpu.memory_space<hbm>>
      tpu.wait_dma2 semaphore(%run_scoped3A : memref<!tpu.dma_semaphore, #tpu.memory_space<semaphore_mem>>) src(%dma_wait3A_42 : memref<632x128xf32, #tpu.memory_space<hbm>>) dst(%dma_wait3A_40 : memref<632x128xf32, #tpu.memory_space<vmem_shared>>)
      tpu.yield
    }) : () -> ()
    %barrier3A = arith.constant 0 : index
    tpu.barrier barrier_id(%barrier3A)
    %eq3A = arith.constant 0 : i32
    %eq3A_3 = arith.cmpi eq, %arg0, %eq3A : i32
    %jit3A = arith.constant 160 : i32
    %jit3A_4 = arith.constant 0 : i32
    %select_n3A = arith.select %eq3A_3, %jit3A, %jit3A_4 : i32
    %mul3A_5 = arith.constant 2560 : i32
    %mul3A_6 = arith.muli %arg0, %mul3A_5 : i32
    %mul3A_7 = arith.muli %arg1, %select_n3A : i32
    %add3A_8 = arith.addi %mul3A_6, %mul3A_7 : i32
    %jit3A_9 = arith.constant 40 : i32
    %div3A = arith.divsi %select_n3A, %jit3A_9 : i32
    %sign3A = arith.constant 0 : i32
    %sign3A_10 = arith.cmpi sgt, %select_n3A, %sign3A : i32
    %sign3A_11 = arith.extui %sign3A_10 : i1 to i32
    %sign3A_12 = arith.constant 0 : i32
    %sign3A_13 = arith.cmpi slt, %select_n3A, %sign3A_12 : i32
    %sign3A_14 = arith.extui %sign3A_13 : i1 to i32
    %sign3A_15 = arith.subi %sign3A_11, %sign3A_14 : i32
    %sign3A_16 = arith.constant 0 : i32
    %sign3A_17 = arith.cmpi sgt, %jit3A_9, %sign3A_16 : i32
    %sign3A_18 = arith.extui %sign3A_17 : i1 to i32
    %sign3A_19 = arith.constant 0 : i32
    %sign3A_20 = arith.cmpi slt, %jit3A_9, %sign3A_19 : i32
    %sign3A_21 = arith.extui %sign3A_20 : i1 to i32
    %sign3A_22 = arith.subi %sign3A_18, %sign3A_21 : i32
    %ne3A = arith.cmpi ne, %sign3A_15, %sign3A_22 : i32
    %rem3A = arith.remsi %select_n3A, %jit3A_9 : i32
    %ne3A_23 = arith.constant 0 : i32
    %ne3A_24 = arith.cmpi ne, %rem3A, %ne3A_23 : i32
    %and3A = arith.andi %ne3A, %ne3A_24 : i1
    %sub3A = arith.constant 1 : i32
    %sub3A_25 = arith.subi %div3A, %sub3A : i32
    %select_n3A_26 = arith.select %and3A, %sub3A_25, %div3A : i32
    %while3A = arith.constant 0 : i32
    %while3A_27 = arith.constant 0 : i32
    %while3A_28 = arith.subi %select_n3A_26, %while3A_27 : i32
    %while3A_29 = arith.addi %while3A_27, %while3A_28 : i32
    %while3A_30 = arith.constant 1 : i32
    %while3A_31 = arith.divsi %while3A_28, %while3A_30 : i32
    %while3A_32 = arith.muli %while3A_31, %while3A_30 : i32
    %while3A_33 = arith.addi %while3A_27, %while3A_32 : i32
    %while3A_34 = arith.constant 1 : i32
    scf.for %while3A_37 = %while3A_27 to %while3A_33 step %while3A_34  : i32 {
      %mul3A_38 = arith.constant 40 : i32
      %mul3A_39 = arith.muli %while3A_37, %mul3A_38 : i32
      %add3A_40 = arith.addi %add3A_8, %mul3A_39 : i32
      %multiple_of3A = tpu.assume_multiple %add3A_40, 8 : i32
      "tpu.region"() ({
        %run_scoped3A = tpu.sem_alloc : memref<!tpu.dma_semaphore, #tpu.memory_space<semaphore_mem>>
        %dma_start3A_58 = arith.constant 0 : i32
        %dma_start3A_59 = tpu.memref_slice %arg3[%multiple_of3A, %dma_start3A_58] : memref<2560x128xi32, #tpu.memory_space<hbm>> -> memref<40x128xi32, #tpu.memory_space<hbm>>
        %dma_start3A_60 = arith.constant 0 : i32
        %dma_start3A_61 = tpu.memref_slice %arg3[%multiple_of3A, %dma_start3A_60] : memref<2560x128xi32, #tpu.memory_space<hbm>> -> memref<40x128xi32, #tpu.memory_space<hbm>>
        tpu.enqueue_dma source(%dma_start3A_61 : memref<40x128xi32, #tpu.memory_space<hbm>>) target(%arg7 : memref<40x128xi32, #tpu.memory_space<vmem>>) target_semaphore(%run_scoped3A : memref<!tpu.dma_semaphore, #tpu.memory_space<semaphore_mem>>)
        %dma_wait3A_62 = arith.constant 0 : i32
        %dma_wait3A_63 = tpu.memref_slice %arg3[%multiple_of3A, %dma_wait3A_62] : memref<2560x128xi32, #tpu.memory_space<hbm>> -> memref<40x128xi32, #tpu.memory_space<hbm>>
        %dma_wait3A_64 = arith.constant 0 : i32
        %dma_wait3A_65 = tpu.memref_slice %arg3[%multiple_of3A, %dma_wait3A_64] : memref<2560x128xi32, #tpu.memory_space<hbm>> -> memref<40x128xi32, #tpu.memory_space<hbm>>
        tpu.wait_dma2 semaphore(%run_scoped3A : memref<!tpu.dma_semaphore, #tpu.memory_space<semaphore_mem>>) src(%dma_wait3A_65 : memref<40x128xi32, #tpu.memory_space<hbm>>) dst(%arg7 : memref<40x128xi32, #tpu.memory_space<vmem>>)
        tpu.yield
      }) : () -> ()
      "tpu.region"() ({
        %run_scoped3A = tpu.sem_alloc : memref<!tpu.dma_semaphore, #tpu.memory_space<semaphore_mem>>
        %dma_start3A_58 = arith.constant 0 : i32
        %dma_start3A_59 = tpu.memref_slice %arg4[%multiple_of3A, %dma_start3A_58] : memref<2560x128xi32, #tpu.memory_space<hbm>> -> memref<40x128xi32, #tpu.memory_space<hbm>>
        %dma_start3A_60 = arith.constant 0 : i32
        %dma_start3A_61 = tpu.memref_slice %arg4[%multiple_of3A, %dma_start3A_60] : memref<2560x128xi32, #tpu.memory_space<hbm>> -> memref<40x128xi32, #tpu.memory_space<hbm>>
        tpu.enqueue_dma source(%dma_start3A_61 : memref<40x128xi32, #tpu.memory_space<hbm>>) target(%arg8 : memref<40x128xi32, #tpu.memory_space<vmem>>) target_semaphore(%run_scoped3A : memref<!tpu.dma_semaphore, #tpu.memory_space<semaphore_mem>>)
        %dma_wait3A_62 = arith.constant 0 : i32
        %dma_wait3A_63 = tpu.memref_slice %arg4[%multiple_of3A, %dma_wait3A_62] : memref<2560x128xi32, #tpu.memory_space<hbm>> -> memref<40x128xi32, #tpu.memory_space<hbm>>
        %dma_wait3A_64 = arith.constant 0 : i32
        %dma_wait3A_65 = tpu.memref_slice %arg4[%multiple_of3A, %dma_wait3A_64] : memref<2560x128xi32, #tpu.memory_space<hbm>> -> memref<40x128xi32, #tpu.memory_space<hbm>>
        tpu.wait_dma2 semaphore(%run_scoped3A : memref<!tpu.dma_semaphore, #tpu.memory_space<semaphore_mem>>) src(%dma_wait3A_65 : memref<40x128xi32, #tpu.memory_space<hbm>>) dst(%arg8 : memref<40x128xi32, #tpu.memory_space<vmem>>)
        tpu.yield
      }) : () -> ()
      %dma_start3A = arith.constant 0 : i32
      %dma_start3A_41 = arith.constant 0 : i32
      %dma_start3A_42 = tpu.memref_slice %arg7[%dma_start3A, %dma_start3A_41] : memref<40x128xi32, #tpu.memory_space<vmem>> -> memref<1x128xi32, #tpu.memory_space<vmem>>
      %dma_start3A_43 = tpu.memref_squeeze %dma_start3A_42 : memref<1x128xi32, #tpu.memory_space<vmem>> -> memref<128xi32, #tpu.memory_space<vmem>>
      %dma_start3A_44 = arith.constant 0 : i32
      %dma_start3A_45 = arith.constant 0 : i32
      %dma_start3A_46 = tpu.memref_slice %arg2[%dma_start3A_44, %dma_start3A_45] : memref<10112x128xf32, #tpu.memory_space<hbm>> -> memref<10112x128xf32, #tpu.memory_space<hbm>>
      tpu.enqueue_indirect_dma source(%dma_start3A_46 : memref<10112x128xf32, #tpu.memory_space<hbm>>) target(%arg9 : memref<128x128xf32, #tpu.memory_space<vmem>>) offsets(%dma_start3A_43 : memref<128xi32, #tpu.memory_space<vmem>>) semaphore(%arg11 : memref<!tpu.dma_semaphore, #tpu.memory_space<semaphore_mem>>)
      %scan3A = arith.constant 0 : i32
      %scan3A_47 = arith.constant 0 : i32
      %scan3A_48 = arith.constant 20 : i32
      %scan3A_49 = arith.addi %scan3A_47, %scan3A_48 : i32
      %scan3A_50 = arith.constant 1 : i32
      scf.for %scan3A_58 = %scan3A_47 to %scan3A_49 step %scan3A_50  : i32 {
        %mul3A_59 = arith.constant 2 : i32
        %mul3A_60 = arith.muli %mul3A_59, %scan3A_58 : i32
        %add3A_61 = arith.constant 0 : i32
        %add3A_62 = arith.addi %mul3A_60, %add3A_61 : i32
        %ge3A = arith.constant 1 : i32
        %ge3A_63 = arith.cmpi sge, %add3A_62, %ge3A : i32
        %convert_element_type3A = arith.extui %ge3A_63 : i1 to i32
        %cond3A = arith.constant 0 : i32
        %cond3A_64 = arith.cmpi ne, %convert_element_type3A, %cond3A : i32
        scf.if %cond3A_64 {
          %sub3A_115 = arith.constant 1 : i32
          %sub3A_116 = arith.subi %add3A_62, %sub3A_115 : i32
          %max3A = arith.constant 0 : i32
          %max3A_117 = arith.maxsi %sub3A_116, %max3A : i32
          %dma_wait3A_118 = arith.constant 0 : i32
          %dma_wait3A_119 = tpu.memref_slice %arg8[%max3A_117, %dma_wait3A_118] : memref<40x128xi32, #tpu.memory_space<vmem>> -> memref<1x128xi32, #tpu.memory_space<vmem>>
          %dma_wait3A_120 = tpu.memref_squeeze %dma_wait3A_119 : memref<1x128xi32, #tpu.memory_space<vmem>> -> memref<128xi32, #tpu.memory_space<vmem>>
          %dma_wait3A_121 = arith.constant 0 : i32
          %dma_wait3A_122 = arith.constant 0 : i32
          %dma_wait3A_123 = tpu.memref_slice %arg6[%dma_wait3A_121, %dma_wait3A_122] : memref<10112x128xf32, #tpu.memory_space<vmem_shared>> -> memref<10112x128xf32, #tpu.memory_space<vmem_shared>>
          tpu.wait_indirect_dma semaphore(%arg14 : memref<!tpu.dma_semaphore, #tpu.memory_space<semaphore_mem>>) src(%arg10 : memref<128x128xf32, #tpu.memory_space<vmem>>) dst(%dma_wait3A_123 : memref<10112x128xf32, #tpu.memory_space<vmem_shared>>)
        } else {
        }
        %add3A_65 = arith.constant 2 : i32
        %add3A_66 = arith.addi %add3A_62, %add3A_65 : i32
        %sub3A_67 = arith.constant 1 : i32
        %sub3A_68 = arith.subi %add3A_66, %sub3A_67 : i32
        %lt3A = arith.constant 40 : i32
        %lt3A_69 = arith.cmpi slt, %sub3A_68, %lt3A : i32
        %convert_element_type3A_70 = arith.extui %lt3A_69 : i1 to i32
        %cond3A_71 = arith.constant 0 : i32
        %cond3A_72 = arith.cmpi ne, %convert_element_type3A_70, %cond3A_71 : i32
        scf.if %cond3A_72 {
          %add3A_115 = arith.constant 2 : i32
          %add3A_116 = arith.addi %add3A_62, %add3A_115 : i32
          %sub3A_117 = arith.constant 1 : i32
          %sub3A_118 = arith.subi %add3A_116, %sub3A_117 : i32
          %dma_start3A_119 = arith.constant 0 : i32
          %dma_start3A_120 = tpu.memref_slice %arg7[%sub3A_118, %dma_start3A_119] : memref<40x128xi32, #tpu.memory_space<vmem>> -> memref<1x128xi32, #tpu.memory_space<vmem>>
          %dma_start3A_121 = tpu.memref_squeeze %dma_start3A_120 : memref<1x128xi32, #tpu.memory_space<vmem>> -> memref<128xi32, #tpu.memory_space<vmem>>
          %dma_start3A_122 = arith.constant 0 : i32
          %dma_start3A_123 = arith.constant 0 : i32
          %dma_start3A_124 = tpu.memref_slice %arg2[%dma_start3A_122, %dma_start3A_123] : memref<10112x128xf32, #tpu.memory_space<hbm>> -> memref<10112x128xf32, #tpu.memory_space<hbm>>
          tpu.enqueue_indirect_dma source(%dma_start3A_124 : memref<10112x128xf32, #tpu.memory_space<hbm>>) target(%arg10 : memref<128x128xf32, #tpu.memory_space<vmem>>) offsets(%dma_start3A_121 : memref<128xi32, #tpu.memory_space<vmem>>) semaphore(%arg12 : memref<!tpu.dma_semaphore, #tpu.memory_space<semaphore_mem>>)
        } else {
        }
        %dma_wait3A_73 = arith.constant 0 : i32
        %dma_wait3A_74 = tpu.memref_slice %arg7[%add3A_62, %dma_wait3A_73] : memref<40x128xi32, #tpu.memory_space<vmem>> -> memref<1x128xi32, #tpu.memory_space<vmem>>
        %dma_wait3A_75 = tpu.memref_squeeze %dma_wait3A_74 : memref<1x128xi32, #tpu.memory_space<vmem>> -> memref<128xi32, #tpu.memory_space<vmem>>
        %dma_wait3A_76 = arith.constant 0 : i32
        %dma_wait3A_77 = arith.constant 0 : i32
        %dma_wait3A_78 = tpu.memref_slice %arg2[%dma_wait3A_76, %dma_wait3A_77] : memref<10112x128xf32, #tpu.memory_space<hbm>> -> memref<10112x128xf32, #tpu.memory_space<hbm>>
        tpu.wait_indirect_dma semaphore(%arg11 : memref<!tpu.dma_semaphore, #tpu.memory_space<semaphore_mem>>) src(%dma_wait3A_78 : memref<10112x128xf32, #tpu.memory_space<hbm>>) dst(%arg9 : memref<128x128xf32, #tpu.memory_space<vmem>>)
        %dma_start3A_79 = arith.constant 0 : i32
        %dma_start3A_80 = tpu.memref_slice %arg8[%add3A_62, %dma_start3A_79] : memref<40x128xi32, #tpu.memory_space<vmem>> -> memref<1x128xi32, #tpu.memory_space<vmem>>
        %dma_start3A_81 = tpu.memref_squeeze %dma_start3A_80 : memref<1x128xi32, #tpu.memory_space<vmem>> -> memref<128xi32, #tpu.memory_space<vmem>>
        %dma_start3A_82 = arith.constant 0 : i32
        %dma_start3A_83 = arith.constant 0 : i32
        %dma_start3A_84 = tpu.memref_slice %arg6[%dma_start3A_82, %dma_start3A_83] : memref<10112x128xf32, #tpu.memory_space<vmem_shared>> -> memref<10112x128xf32, #tpu.memory_space<vmem_shared>>
        tpu.enqueue_indirect_dma source(%arg9 : memref<128x128xf32, #tpu.memory_space<vmem>>) target(%dma_start3A_84 : memref<10112x128xf32, #tpu.memory_space<vmem_shared>>) offsets(%dma_start3A_81 : memref<128xi32, #tpu.memory_space<vmem>>) semaphore(%arg13 : memref<!tpu.dma_semaphore, #tpu.memory_space<semaphore_mem>>) {add = true}
        %mul3A_85 = arith.constant 2 : i32
        %mul3A_86 = arith.muli %mul3A_85, %scan3A_58 : i32
        %add3A_87 = arith.constant 1 : i32
        %add3A_88 = arith.addi %mul3A_86, %add3A_87 : i32
        %ge3A_89 = arith.constant 1 : i32
        %ge3A_90 = arith.cmpi sge, %add3A_88, %ge3A_89 : i32
        %convert_element_type3A_91 = arith.extui %ge3A_90 : i1 to i32
        %cond3A_92 = arith.constant 0 : i32
        %cond3A_93 = arith.cmpi ne, %convert_element_type3A_91, %cond3A_92 : i32
        scf.if %cond3A_93 {
          %sub3A_115 = arith.constant 1 : i32
          %sub3A_116 = arith.subi %add3A_88, %sub3A_115 : i32
          %max3A = arith.constant 0 : i32
          %max3A_117 = arith.maxsi %sub3A_116, %max3A : i32
          %dma_wait3A_118 = arith.constant 0 : i32
          %dma_wait3A_119 = tpu.memref_slice %arg8[%max3A_117, %dma_wait3A_118] : memref<40x128xi32, #tpu.memory_space<vmem>> -> memref<1x128xi32, #tpu.memory_space<vmem>>
          %dma_wait3A_120 = tpu.memref_squeeze %dma_wait3A_119 : memref<1x128xi32, #tpu.memory_space<vmem>> -> memref<128xi32, #tpu.memory_space<vmem>>
          %dma_wait3A_121 = arith.constant 0 : i32
          %dma_wait3A_122 = arith.constant 0 : i32
          %dma_wait3A_123 = tpu.memref_slice %arg6[%dma_wait3A_121, %dma_wait3A_122] : memref<10112x128xf32, #tpu.memory_space<vmem_shared>> -> memref<10112x128xf32, #tpu.memory_space<vmem_shared>>
          tpu.wait_indirect_dma semaphore(%arg13 : memref<!tpu.dma_semaphore, #tpu.memory_space<semaphore_mem>>) src(%arg9 : memref<128x128xf32, #tpu.memory_space<vmem>>) dst(%dma_wait3A_123 : memref<10112x128xf32, #tpu.memory_space<vmem_shared>>)
        } else {
        }
        %add3A_94 = arith.constant 2 : i32
        %add3A_95 = arith.addi %add3A_88, %add3A_94 : i32
        %sub3A_96 = arith.constant 1 : i32
        %sub3A_97 = arith.subi %add3A_95, %sub3A_96 : i32
        %lt3A_98 = arith.constant 40 : i32
        %lt3A_99 = arith.cmpi slt, %sub3A_97, %lt3A_98 : i32
        %convert_element_type3A_100 = arith.extui %lt3A_99 : i1 to i32
        %cond3A_101 = arith.constant 0 : i32
        %cond3A_102 = arith.cmpi ne, %convert_element_type3A_100, %cond3A_101 : i32
        scf.if %cond3A_102 {
          %add3A_115 = arith.constant 2 : i32
          %add3A_116 = arith.addi %add3A_88, %add3A_115 : i32
          %sub3A_117 = arith.constant 1 : i32
          %sub3A_118 = arith.subi %add3A_116, %sub3A_117 : i32
          %dma_start3A_119 = arith.constant 0 : i32
          %dma_start3A_120 = tpu.memref_slice %arg7[%sub3A_118, %dma_start3A_119] : memref<40x128xi32, #tpu.memory_space<vmem>> -> memref<1x128xi32, #tpu.memory_space<vmem>>
          %dma_start3A_121 = tpu.memref_squeeze %dma_start3A_120 : memref<1x128xi32, #tpu.memory_space<vmem>> -> memref<128xi32, #tpu.memory_space<vmem>>
          %dma_start3A_122 = arith.constant 0 : i32
          %dma_start3A_123 = arith.constant 0 : i32
          %dma_start3A_124 = tpu.memref_slice %arg2[%dma_start3A_122, %dma_start3A_123] : memref<10112x128xf32, #tpu.memory_space<hbm>> -> memref<10112x128xf32, #tpu.memory_space<hbm>>
          tpu.enqueue_indirect_dma source(%dma_start3A_124 : memref<10112x128xf32, #tpu.memory_space<hbm>>) target(%arg9 : memref<128x128xf32, #tpu.memory_space<vmem>>) offsets(%dma_start3A_121 : memref<128xi32, #tpu.memory_space<vmem>>) semaphore(%arg11 : memref<!tpu.dma_semaphore, #tpu.memory_space<semaphore_mem>>)
        } else {
        }
        %dma_wait3A_103 = arith.constant 0 : i32
        %dma_wait3A_104 = tpu.memref_slice %arg7[%add3A_88, %dma_wait3A_103] : memref<40x128xi32, #tpu.memory_space<vmem>> -> memref<1x128xi32, #tpu.memory_space<vmem>>
        %dma_wait3A_105 = tpu.memref_squeeze %dma_wait3A_104 : memref<1x128xi32, #tpu.memory_space<vmem>> -> memref<128xi32, #tpu.memory_space<vmem>>
        %dma_wait3A_106 = arith.constant 0 : i32
        %dma_wait3A_107 = arith.constant 0 : i32
        %dma_wait3A_108 = tpu.memref_slice %arg2[%dma_wait3A_106, %dma_wait3A_107] : memref<10112x128xf32, #tpu.memory_space<hbm>> -> memref<10112x128xf32, #tpu.memory_space<hbm>>
        tpu.wait_indirect_dma semaphore(%arg12 : memref<!tpu.dma_semaphore, #tpu.memory_space<semaphore_mem>>) src(%dma_wait3A_108 : memref<10112x128xf32, #tpu.memory_space<hbm>>) dst(%arg10 : memref<128x128xf32, #tpu.memory_space<vmem>>)
        %dma_start3A_109 = arith.constant 0 : i32
        %dma_start3A_110 = tpu.memref_slice %arg8[%add3A_88, %dma_start3A_109] : memref<40x128xi32, #tpu.memory_space<vmem>> -> memref<1x128xi32, #tpu.memory_space<vmem>>
        %dma_start3A_111 = tpu.memref_squeeze %dma_start3A_110 : memref<1x128xi32, #tpu.memory_space<vmem>> -> memref<128xi32, #tpu.memory_space<vmem>>
        %dma_start3A_112 = arith.constant 0 : i32
        %dma_start3A_113 = arith.constant 0 : i32
        %dma_start3A_114 = tpu.memref_slice %arg6[%dma_start3A_112, %dma_start3A_113] : memref<10112x128xf32, #tpu.memory_space<vmem_shared>> -> memref<10112x128xf32, #tpu.memory_space<vmem_shared>>
        tpu.enqueue_indirect_dma source(%arg10 : memref<128x128xf32, #tpu.memory_space<vmem>>) target(%dma_start3A_114 : memref<10112x128xf32, #tpu.memory_space<vmem_shared>>) offsets(%dma_start3A_111 : memref<128xi32, #tpu.memory_space<vmem>>) semaphore(%arg14 : memref<!tpu.dma_semaphore, #tpu.memory_space<semaphore_mem>>) {add = true}
      }
      %scan3A_51 = arith.constant 20 : i32
      %dma_wait3A = arith.constant 39 : i32
      %dma_wait3A_52 = arith.constant 0 : i32
      %dma_wait3A_53 = tpu.memref_slice %arg8[%dma_wait3A, %dma_wait3A_52] : memref<40x128xi32, #tpu.memory_space<vmem>> -> memref<1x128xi32, #tpu.memory_space<vmem>>
      %dma_wait3A_54 = tpu.memref_squeeze %dma_wait3A_53 : memref<1x128xi32, #tpu.memory_space<vmem>> -> memref<128xi32, #tpu.memory_space<vmem>>
      %dma_wait3A_55 = arith.constant 0 : i32
      %dma_wait3A_56 = arith.constant 0 : i32
      %dma_wait3A_57 = tpu.memref_slice %arg6[%dma_wait3A_55, %dma_wait3A_56] : memref<10112x128xf32, #tpu.memory_space<vmem_shared>> -> memref<10112x128xf32, #tpu.memory_space<vmem_shared>>
      tpu.wait_indirect_dma semaphore(%arg14 : memref<!tpu.dma_semaphore, #tpu.memory_space<semaphore_mem>>) src(%arg10 : memref<128x128xf32, #tpu.memory_space<vmem>>) dst(%dma_wait3A_57 : memref<10112x128xf32, #tpu.memory_space<vmem_shared>>)
    }
    %while3A_35 = arith.constant 1 : i32
    scf.for %while3A_37 = %while3A_33 to %while3A_29 step %while3A_35  : i32 {
      %mul3A_38 = arith.constant 40 : i32
      %mul3A_39 = arith.muli %while3A_37, %mul3A_38 : i32
      %add3A_40 = arith.addi %add3A_8, %mul3A_39 : i32
      %multiple_of3A = tpu.assume_multiple %add3A_40, 8 : i32
      "tpu.region"() ({
        %run_scoped3A = tpu.sem_alloc : memref<!tpu.dma_semaphore, #tpu.memory_space<semaphore_mem>>
        %dma_start3A_58 = arith.constant 0 : i32
        %dma_start3A_59 = tpu.memref_slice %arg3[%multiple_of3A, %dma_start3A_58] : memref<2560x128xi32, #tpu.memory_space<hbm>> -> memref<40x128xi32, #tpu.memory_space<hbm>>
        %dma_start3A_60 = arith.constant 0 : i32
        %dma_start3A_61 = tpu.memref_slice %arg3[%multiple_of3A, %dma_start3A_60] : memref<2560x128xi32, #tpu.memory_space<hbm>> -> memref<40x128xi32, #tpu.memory_space<hbm>>
        tpu.enqueue_dma source(%dma_start3A_61 : memref<40x128xi32, #tpu.memory_space<hbm>>) target(%arg7 : memref<40x128xi32, #tpu.memory_space<vmem>>) target_semaphore(%run_scoped3A : memref<!tpu.dma_semaphore, #tpu.memory_space<semaphore_mem>>)
        %dma_wait3A_62 = arith.constant 0 : i32
        %dma_wait3A_63 = tpu.memref_slice %arg3[%multiple_of3A, %dma_wait3A_62] : memref<2560x128xi32, #tpu.memory_space<hbm>> -> memref<40x128xi32, #tpu.memory_space<hbm>>
        %dma_wait3A_64 = arith.constant 0 : i32
        %dma_wait3A_65 = tpu.memref_slice %arg3[%multiple_of3A, %dma_wait3A_64] : memref<2560x128xi32, #tpu.memory_space<hbm>> -> memref<40x128xi32, #tpu.memory_space<hbm>>
        tpu.wait_dma2 semaphore(%run_scoped3A : memref<!tpu.dma_semaphore, #tpu.memory_space<semaphore_mem>>) src(%dma_wait3A_65 : memref<40x128xi32, #tpu.memory_space<hbm>>) dst(%arg7 : memref<40x128xi32, #tpu.memory_space<vmem>>)
        tpu.yield
      }) : () -> ()
      "tpu.region"() ({
        %run_scoped3A = tpu.sem_alloc : memref<!tpu.dma_semaphore, #tpu.memory_space<semaphore_mem>>
        %dma_start3A_58 = arith.constant 0 : i32
        %dma_start3A_59 = tpu.memref_slice %arg4[%multiple_of3A, %dma_start3A_58] : memref<2560x128xi32, #tpu.memory_space<hbm>> -> memref<40x128xi32, #tpu.memory_space<hbm>>
        %dma_start3A_60 = arith.constant 0 : i32
        %dma_start3A_61 = tpu.memref_slice %arg4[%multiple_of3A, %dma_start3A_60] : memref<2560x128xi32, #tpu.memory_space<hbm>> -> memref<40x128xi32, #tpu.memory_space<hbm>>
        tpu.enqueue_dma source(%dma_start3A_61 : memref<40x128xi32, #tpu.memory_space<hbm>>) target(%arg8 : memref<40x128xi32, #tpu.memory_space<vmem>>) target_semaphore(%run_scoped3A : memref<!tpu.dma_semaphore, #tpu.memory_space<semaphore_mem>>)
        %dma_wait3A_62 = arith.constant 0 : i32
        %dma_wait3A_63 = tpu.memref_slice %arg4[%multiple_of3A, %dma_wait3A_62] : memref<2560x128xi32, #tpu.memory_space<hbm>> -> memref<40x128xi32, #tpu.memory_space<hbm>>
        %dma_wait3A_64 = arith.constant 0 : i32
        %dma_wait3A_65 = tpu.memref_slice %arg4[%multiple_of3A, %dma_wait3A_64] : memref<2560x128xi32, #tpu.memory_space<hbm>> -> memref<40x128xi32, #tpu.memory_space<hbm>>
        tpu.wait_dma2 semaphore(%run_scoped3A : memref<!tpu.dma_semaphore, #tpu.memory_space<semaphore_mem>>) src(%dma_wait3A_65 : memref<40x128xi32, #tpu.memory_space<hbm>>) dst(%arg8 : memref<40x128xi32, #tpu.memory_space<vmem>>)
        tpu.yield
      }) : () -> ()
      %dma_start3A = arith.constant 0 : i32
      %dma_start3A_41 = arith.constant 0 : i32
      %dma_start3A_42 = tpu.memref_slice %arg7[%dma_start3A, %dma_start3A_41] : memref<40x128xi32, #tpu.memory_space<vmem>> -> memref<1x128xi32, #tpu.memory_space<vmem>>
      %dma_start3A_43 = tpu.memref_squeeze %dma_start3A_42 : memref<1x128xi32, #tpu.memory_space<vmem>> -> memref<128xi32, #tpu.memory_space<vmem>>
      %dma_start3A_44 = arith.constant 0 : i32
      %dma_start3A_45 = arith.constant 0 : i32
      %dma_start3A_46 = tpu.memref_slice %arg2[%dma_start3A_44, %dma_start3A_45] : memref<10112x128xf32, #tpu.memory_space<hbm>> -> memref<10112x128xf32, #tpu.memory_space<hbm>>
      tpu.enqueue_indirect_dma source(%dma_start3A_46 : memref<10112x128xf32, #tpu.memory_space<hbm>>) target(%arg9 : memref<128x128xf32, #tpu.memory_space<vmem>>) offsets(%dma_start3A_43 : memref<128xi32, #tpu.memory_space<vmem>>) semaphore(%arg11 : memref<!tpu.dma_semaphore, #tpu.memory_space<semaphore_mem>>)
      %scan3A = arith.constant 0 : i32
      %scan3A_47 = arith.constant 0 : i32
      %scan3A_48 = arith.constant 20 : i32
      %scan3A_49 = arith.addi %scan3A_47, %scan3A_48 : i32
      %scan3A_50 = arith.constant 1 : i32
      scf.for %scan3A_58 = %scan3A_47 to %scan3A_49 step %scan3A_50  : i32 {
        %mul3A_59 = arith.constant 2 : i32
        %mul3A_60 = arith.muli %mul3A_59, %scan3A_58 : i32
        %add3A_61 = arith.constant 0 : i32
        %add3A_62 = arith.addi %mul3A_60, %add3A_61 : i32
        %ge3A = arith.constant 1 : i32
        %ge3A_63 = arith.cmpi sge, %add3A_62, %ge3A : i32
        %convert_element_type3A = arith.extui %ge3A_63 : i1 to i32
        %cond3A = arith.constant 0 : i32
        %cond3A_64 = arith.cmpi ne, %convert_element_type3A, %cond3A : i32
        scf.if %cond3A_64 {
          %sub3A_115 = arith.constant 1 : i32
          %sub3A_116 = arith.subi %add3A_62, %sub3A_115 : i32
          %max3A = arith.constant 0 : i32
          %max3A_117 = arith.maxsi %sub3A_116, %max3A : i32
          %dma_wait3A_118 = arith.constant 0 : i32
          %dma_wait3A_119 = tpu.memref_slice %arg8[%max3A_117, %dma_wait3A_118] : memref<40x128xi32, #tpu.memory_space<vmem>> -> memref<1x128xi32, #tpu.memory_space<vmem>>
          %dma_wait3A_120 = tpu.memref_squeeze %dma_wait3A_119 : memref<1x128xi32, #tpu.memory_space<vmem>> -> memref<128xi32, #tpu.memory_space<vmem>>
          %dma_wait3A_121 = arith.constant 0 : i32
          %dma_wait3A_122 = arith.constant 0 : i32
          %dma_wait3A_123 = tpu.memref_slice %arg6[%dma_wait3A_121, %dma_wait3A_122] : memref<10112x128xf32, #tpu.memory_space<vmem_shared>> -> memref<10112x128xf32, #tpu.memory_space<vmem_shared>>
          tpu.wait_indirect_dma semaphore(%arg14 : memref<!tpu.dma_semaphore, #tpu.memory_space<semaphore_mem>>) src(%arg10 : memref<128x128xf32, #tpu.memory_space<vmem>>) dst(%dma_wait3A_123 : memref<10112x128xf32, #tpu.memory_space<vmem_shared>>)
        } else {
        }
        %add3A_65 = arith.constant 2 : i32
        %add3A_66 = arith.addi %add3A_62, %add3A_65 : i32
        %sub3A_67 = arith.constant 1 : i32
        %sub3A_68 = arith.subi %add3A_66, %sub3A_67 : i32
        %lt3A = arith.constant 40 : i32
        %lt3A_69 = arith.cmpi slt, %sub3A_68, %lt3A : i32
        %convert_element_type3A_70 = arith.extui %lt3A_69 : i1 to i32
        %cond3A_71 = arith.constant 0 : i32
        %cond3A_72 = arith.cmpi ne, %convert_element_type3A_70, %cond3A_71 : i32
        scf.if %cond3A_72 {
          %add3A_115 = arith.constant 2 : i32
          %add3A_116 = arith.addi %add3A_62, %add3A_115 : i32
          %sub3A_117 = arith.constant 1 : i32
          %sub3A_118 = arith.subi %add3A_116, %sub3A_117 : i32
          %dma_start3A_119 = arith.constant 0 : i32
          %dma_start3A_120 = tpu.memref_slice %arg7[%sub3A_118, %dma_start3A_119] : memref<40x128xi32, #tpu.memory_space<vmem>> -> memref<1x128xi32, #tpu.memory_space<vmem>>
          %dma_start3A_121 = tpu.memref_squeeze %dma_start3A_120 : memref<1x128xi32, #tpu.memory_space<vmem>> -> memref<128xi32, #tpu.memory_space<vmem>>
          %dma_start3A_122 = arith.constant 0 : i32
          %dma_start3A_123 = arith.constant 0 : i32
          %dma_start3A_124 = tpu.memref_slice %arg2[%dma_start3A_122, %dma_start3A_123] : memref<10112x128xf32, #tpu.memory_space<hbm>> -> memref<10112x128xf32, #tpu.memory_space<hbm>>
          tpu.enqueue_indirect_dma source(%dma_start3A_124 : memref<10112x128xf32, #tpu.memory_space<hbm>>) target(%arg10 : memref<128x128xf32, #tpu.memory_space<vmem>>) offsets(%dma_start3A_121 : memref<128xi32, #tpu.memory_space<vmem>>) semaphore(%arg12 : memref<!tpu.dma_semaphore, #tpu.memory_space<semaphore_mem>>)
        } else {
        }
        %dma_wait3A_73 = arith.constant 0 : i32
        %dma_wait3A_74 = tpu.memref_slice %arg7[%add3A_62, %dma_wait3A_73] : memref<40x128xi32, #tpu.memory_space<vmem>> -> memref<1x128xi32, #tpu.memory_space<vmem>>
        %dma_wait3A_75 = tpu.memref_squeeze %dma_wait3A_74 : memref<1x128xi32, #tpu.memory_space<vmem>> -> memref<128xi32, #tpu.memory_space<vmem>>
        %dma_wait3A_76 = arith.constant 0 : i32
        %dma_wait3A_77 = arith.constant 0 : i32
        %dma_wait3A_78 = tpu.memref_slice %arg2[%dma_wait3A_76, %dma_wait3A_77] : memref<10112x128xf32, #tpu.memory_space<hbm>> -> memref<10112x128xf32, #tpu.memory_space<hbm>>
        tpu.wait_indirect_dma semaphore(%arg11 : memref<!tpu.dma_semaphore, #tpu.memory_space<semaphore_mem>>) src(%dma_wait3A_78 : memref<10112x128xf32, #tpu.memory_space<hbm>>) dst(%arg9 : memref<128x128xf32, #tpu.memory_space<vmem>>)
        %dma_start3A_79 = arith.constant 0 : i32
        %dma_start3A_80 = tpu.memref_slice %arg8[%add3A_62, %dma_start3A_79] : memref<40x128xi32, #tpu.memory_space<vmem>> -> memref<1x128xi32, #tpu.memory_space<vmem>>
        %dma_start3A_81 = tpu.memref_squeeze %dma_start3A_80 : memref<1x128xi32, #tpu.memory_space<vmem>> -> memref<128xi32, #tpu.memory_space<vmem>>
        %dma_start3A_82 = arith.constant 0 : i32
        %dma_start3A_83 = arith.constant 0 : i32
        %dma_start3A_84 = tpu.memref_slice %arg6[%dma_start3A_82, %dma_start3A_83] : memref<10112x128xf32, #tpu.memory_space<vmem_shared>> -> memref<10112x128xf32, #tpu.memory_space<vmem_shared>>
        tpu.enqueue_indirect_dma source(%arg9 : memref<128x128xf32, #tpu.memory_space<vmem>>) target(%dma_start3A_84 : memref<10112x128xf32, #tpu.memory_space<vmem_shared>>) offsets(%dma_start3A_81 : memref<128xi32, #tpu.memory_space<vmem>>) semaphore(%arg13 : memref<!tpu.dma_semaphore, #tpu.memory_space<semaphore_mem>>) {add = true}
        %mul3A_85 = arith.constant 2 : i32
        %mul3A_86 = arith.muli %mul3A_85, %scan3A_58 : i32
        %add3A_87 = arith.constant 1 : i32
        %add3A_88 = arith.addi %mul3A_86, %add3A_87 : i32
        %ge3A_89 = arith.constant 1 : i32
        %ge3A_90 = arith.cmpi sge, %add3A_88, %ge3A_89 : i32
        %convert_element_type3A_91 = arith.extui %ge3A_90 : i1 to i32
        %cond3A_92 = arith.constant 0 : i32
        %cond3A_93 = arith.cmpi ne, %convert_element_type3A_91, %cond3A_92 : i32
        scf.if %cond3A_93 {
          %sub3A_115 = arith.constant 1 : i32
          %sub3A_116 = arith.subi %add3A_88, %sub3A_115 : i32
          %max3A = arith.constant 0 : i32
          %max3A_117 = arith.maxsi %sub3A_116, %max3A : i32
          %dma_wait3A_118 = arith.constant 0 : i32
          %dma_wait3A_119 = tpu.memref_slice %arg8[%max3A_117, %dma_wait3A_118] : memref<40x128xi32, #tpu.memory_space<vmem>> -> memref<1x128xi32, #tpu.memory_space<vmem>>
          %dma_wait3A_120 = tpu.memref_squeeze %dma_wait3A_119 : memref<1x128xi32, #tpu.memory_space<vmem>> -> memref<128xi32, #tpu.memory_space<vmem>>
          %dma_wait3A_121 = arith.constant 0 : i32
          %dma_wait3A_122 = arith.constant 0 : i32
          %dma_wait3A_123 = tpu.memref_slice %arg6[%dma_wait3A_121, %dma_wait3A_122] : memref<10112x128xf32, #tpu.memory_space<vmem_shared>> -> memref<10112x128xf32, #tpu.memory_space<vmem_shared>>
          tpu.wait_indirect_dma semaphore(%arg13 : memref<!tpu.dma_semaphore, #tpu.memory_space<semaphore_mem>>) src(%arg9 : memref<128x128xf32, #tpu.memory_space<vmem>>) dst(%dma_wait3A_123 : memref<10112x128xf32, #tpu.memory_space<vmem_shared>>)
        } else {
        }
        %add3A_94 = arith.constant 2 : i32
        %add3A_95 = arith.addi %add3A_88, %add3A_94 : i32
        %sub3A_96 = arith.constant 1 : i32
        %sub3A_97 = arith.subi %add3A_95, %sub3A_96 : i32
        %lt3A_98 = arith.constant 40 : i32
        %lt3A_99 = arith.cmpi slt, %sub3A_97, %lt3A_98 : i32
        %convert_element_type3A_100 = arith.extui %lt3A_99 : i1 to i32
        %cond3A_101 = arith.constant 0 : i32
        %cond3A_102 = arith.cmpi ne, %convert_element_type3A_100, %cond3A_101 : i32
        scf.if %cond3A_102 {
          %add3A_115 = arith.constant 2 : i32
          %add3A_116 = arith.addi %add3A_88, %add3A_115 : i32
          %sub3A_117 = arith.constant 1 : i32
          %sub3A_118 = arith.subi %add3A_116, %sub3A_117 : i32
          %dma_start3A_119 = arith.constant 0 : i32
          %dma_start3A_120 = tpu.memref_slice %arg7[%sub3A_118, %dma_start3A_119] : memref<40x128xi32, #tpu.memory_space<vmem>> -> memref<1x128xi32, #tpu.memory_space<vmem>>
          %dma_start3A_121 = tpu.memref_squeeze %dma_start3A_120 : memref<1x128xi32, #tpu.memory_space<vmem>> -> memref<128xi32, #tpu.memory_space<vmem>>
          %dma_start3A_122 = arith.constant 0 : i32
          %dma_start3A_123 = arith.constant 0 : i32
          %dma_start3A_124 = tpu.memref_slice %arg2[%dma_start3A_122, %dma_start3A_123] : memref<10112x128xf32, #tpu.memory_space<hbm>> -> memref<10112x128xf32, #tpu.memory_space<hbm>>
          tpu.enqueue_indirect_dma source(%dma_start3A_124 : memref<10112x128xf32, #tpu.memory_space<hbm>>) target(%arg9 : memref<128x128xf32, #tpu.memory_space<vmem>>) offsets(%dma_start3A_121 : memref<128xi32, #tpu.memory_space<vmem>>) semaphore(%arg11 : memref<!tpu.dma_semaphore, #tpu.memory_space<semaphore_mem>>)
        } else {
        }
        %dma_wait3A_103 = arith.constant 0 : i32
        %dma_wait3A_104 = tpu.memref_slice %arg7[%add3A_88, %dma_wait3A_103] : memref<40x128xi32, #tpu.memory_space<vmem>> -> memref<1x128xi32, #tpu.memory_space<vmem>>
        %dma_wait3A_105 = tpu.memref_squeeze %dma_wait3A_104 : memref<1x128xi32, #tpu.memory_space<vmem>> -> memref<128xi32, #tpu.memory_space<vmem>>
        %dma_wait3A_106 = arith.constant 0 : i32
        %dma_wait3A_107 = arith.constant 0 : i32
        %dma_wait3A_108 = tpu.memref_slice %arg2[%dma_wait3A_106, %dma_wait3A_107] : memref<10112x128xf32, #tpu.memory_space<hbm>> -> memref<10112x128xf32, #tpu.memory_space<hbm>>
        tpu.wait_indirect_dma semaphore(%arg12 : memref<!tpu.dma_semaphore, #tpu.memory_space<semaphore_mem>>) src(%dma_wait3A_108 : memref<10112x128xf32, #tpu.memory_space<hbm>>) dst(%arg10 : memref<128x128xf32, #tpu.memory_space<vmem>>)
        %dma_start3A_109 = arith.constant 0 : i32
        %dma_start3A_110 = tpu.memref_slice %arg8[%add3A_88, %dma_start3A_109] : memref<40x128xi32, #tpu.memory_space<vmem>> -> memref<1x128xi32, #tpu.memory_space<vmem>>
        %dma_start3A_111 = tpu.memref_squeeze %dma_start3A_110 : memref<1x128xi32, #tpu.memory_space<vmem>> -> memref<128xi32, #tpu.memory_space<vmem>>
        %dma_start3A_112 = arith.constant 0 : i32
        %dma_start3A_113 = arith.constant 0 : i32
        %dma_start3A_114 = tpu.memref_slice %arg6[%dma_start3A_112, %dma_start3A_113] : memref<10112x128xf32, #tpu.memory_space<vmem_shared>> -> memref<10112x128xf32, #tpu.memory_space<vmem_shared>>
        tpu.enqueue_indirect_dma source(%arg10 : memref<128x128xf32, #tpu.memory_space<vmem>>) target(%dma_start3A_114 : memref<10112x128xf32, #tpu.memory_space<vmem_shared>>) offsets(%dma_start3A_111 : memref<128xi32, #tpu.memory_space<vmem>>) semaphore(%arg14 : memref<!tpu.dma_semaphore, #tpu.memory_space<semaphore_mem>>) {add = true}
      }
      %scan3A_51 = arith.constant 20 : i32
      %dma_wait3A = arith.constant 39 : i32
      %dma_wait3A_52 = arith.constant 0 : i32
      %dma_wait3A_53 = tpu.memref_slice %arg8[%dma_wait3A, %dma_wait3A_52] : memref<40x128xi32, #tpu.memory_space<vmem>> -> memref<1x128xi32, #tpu.memory_space<vmem>>
      %dma_wait3A_54 = tpu.memref_squeeze %dma_wait3A_53 : memref<1x128xi32, #tpu.memory_space<vmem>> -> memref<128xi32, #tpu.memory_space<vmem>>
      %dma_wait3A_55 = arith.constant 0 : i32
      %dma_wait3A_56 = arith.constant 0 : i32
      %dma_wait3A_57 = tpu.memref_slice %arg6[%dma_wait3A_55, %dma_wait3A_56] : memref<10112x128xf32, #tpu.memory_space<vmem_shared>> -> memref<10112x128xf32, #tpu.memory_space<vmem_shared>>
      tpu.wait_indirect_dma semaphore(%arg14 : memref<!tpu.dma_semaphore, #tpu.memory_space<semaphore_mem>>) src(%arg10 : memref<128x128xf32, #tpu.memory_space<vmem>>) dst(%dma_wait3A_57 : memref<10112x128xf32, #tpu.memory_space<vmem_shared>>)
    }
    %barrier3A_36 = arith.constant 0 : index
    tpu.barrier barrier_id(%barrier3A_36)
    "tpu.region"() ({
      %run_scoped3A = tpu.sem_alloc : memref<!tpu.dma_semaphore, #tpu.memory_space<semaphore_mem>>
      %dma_start3A = arith.constant 0 : i32
      %dma_start3A_37 = tpu.memref_slice %arg5[%arg0, %mul3A_2, %dma_start3A] : memref<2x10112x128xf32, #tpu.memory_space<hbm>> -> memref<1x632x128xf32, #tpu.memory_space<hbm>>
      %dma_start3A_38 = tpu.memref_squeeze %dma_start3A_37 : memref<1x632x128xf32, #tpu.memory_space<hbm>> -> memref<632x128xf32, #tpu.memory_space<hbm>>
      %dma_start3A_39 = arith.constant 0 : i32
      %dma_start3A_40 = tpu.memref_slice %arg6[%mul3A_2, %dma_start3A_39] : memref<10112x128xf32, #tpu.memory_space<vmem_shared>> -> memref<632x128xf32, #tpu.memory_space<vmem_shared>>
      tpu.enqueue_dma source(%dma_start3A_40 : memref<632x128xf32, #tpu.memory_space<vmem_shared>>) target(%dma_start3A_38 : memref<632x128xf32, #tpu.memory_space<hbm>>) target_semaphore(%run_scoped3A : memref<!tpu.dma_semaphore, #tpu.memory_space<semaphore_mem>>)
      %dma_wait3A = arith.constant 0 : i32
      %dma_wait3A_41 = tpu.memref_slice %arg5[%arg0, %mul3A_2, %dma_wait3A] : memref<2x10112x128xf32, #tpu.memory_space<hbm>> -> memref<1x632x128xf32, #tpu.memory_space<hbm>>
      %dma_wait3A_42 = tpu.memref_squeeze %dma_wait3A_41 : memref<1x632x128xf32, #tpu.memory_space<hbm>> -> memref<632x128xf32, #tpu.memory_space<hbm>>
      %dma_wait3A_43 = arith.constant 0 : i32
      %dma_wait3A_44 = tpu.memref_slice %arg6[%mul3A_2, %dma_wait3A_43] : memref<10112x128xf32, #tpu.memory_space<vmem_shared>> -> memref<632x128xf32, #tpu.memory_space<vmem_shared>>
      tpu.wait_dma2 semaphore(%run_scoped3A : memref<!tpu.dma_semaphore, #tpu.memory_space<semaphore_mem>>) src(%dma_wait3A_44 : memref<632x128xf32, #tpu.memory_space<vmem_shared>>) dst(%dma_wait3A_42 : memref<632x128xf32, #tpu.memory_space<hbm>>)
      tpu.yield
    }) : () -> ()
    return
  }
}

module attributes {stable_mosaic.version = 14 : i64} {
  func.func @_tc_y_body(%arg0: i32, %arg1: memref<400x128xf32, #tpu.memory_space<vmem>>, %arg2: memref<128x128xf32, #tpu.memory_space<vmem>>, %arg3: memref<400x16xf32, #tpu.memory_space<vmem>>, %arg4: memref<400x16xf32, #tpu.memory_space<vmem>>, %arg5: memref<400x128xf32, #tpu.memory_space<vmem>>) attributes {dimension_semantics = [#tpu.dimension_semantics<arbitrary>], iteration_bounds = array<i64: 25>, scalar_prefetch = 0 : i64, scratch_operands = 0 : i64, tpu.core_type = #tpu.core_type<tc>, window_params = [{transform_indices = @transform_0, window_bounds = array<i64: 400, 128>}, {pipeline_mode = #tpu.pipeline_mode<synchronous>, transform_indices = @transform_1, window_bounds = array<i64: 128, 128>}, {transform_indices = @transform_2, window_bounds = array<i64: 400, 16>}, {transform_indices = @transform_3, window_bounds = array<i64: 400, 16>}, {transform_indices = @transform_4, window_bounds = array<i64: 400, 128>}]} {
    %get3A = arith.constant 0 : index
    %get3A_0 = arith.constant 0 : index
    %get3A_1 = vector.load %arg3[%get3A, %get3A_0] : memref<400x16xf32, #tpu.memory_space<vmem>>, vector<400x16xf32>
    %get3A_2 = arith.constant 0 : index
    %get3A_3 = arith.constant 0 : index
    %get3A_4 = vector.load %arg4[%get3A_2, %get3A_3] : memref<400x16xf32, #tpu.memory_space<vmem>>, vector<400x16xf32>
    %slice3A = vector.extract_strided_slice %get3A_1 {offsets = [0, 0], sizes = [400, 1], strides = [1, 1]} : vector<400x16xf32> to vector<400x1xf32>
    %slice3A_5 = vector.extract_strided_slice %get3A_4 {offsets = [0, 0], sizes = [400, 1], strides = [1, 1]} : vector<400x16xf32> to vector<400x1xf32>
    %add3A = arith.addf %slice3A, %slice3A_5 : vector<400x1xf32>
    %add3A_6 = arith.constant 1.000000e+00 : f32
    %add3A_7 = vector.broadcast %add3A_6 : f32 to vector<400x1xf32>
    %add3A_8 = arith.addf %add3A, %add3A_7 : vector<400x1xf32>
    %rsqrt3A = math.rsqrt %add3A_8 : vector<400x1xf32>
    %get3A_9 = arith.constant 0 : index
    %get3A_10 = arith.constant 0 : index
    %get3A_11 = vector.load %arg1[%get3A_9, %get3A_10] : memref<400x128xf32, #tpu.memory_space<vmem>>, vector<400x128xf32>
    %get3A_12 = arith.constant 0 : index
    %get3A_13 = arith.constant 0 : index
    %get3A_14 = vector.load %arg2[%get3A_12, %get3A_13] : memref<128x128xf32, #tpu.memory_space<vmem>>, vector<128x128xf32>
    %dot_general3A = arith.constant dense<0.000000e+00> : vector<400x128xf32>
    %dot_general3A_15 = tpu.matmul %get3A_11, %get3A_14, %dot_general3A {dimension_numbers = #tpu.dot_dimension_numbers<[1], [0], [0], [1], [0, 0, 1, 1], [], []>, transpose_lhs_hint = false} : vector<400x128xf32>, vector<128x128xf32>, vector<400x128xf32> -> vector<400x128xf32>
    %mul3A = vector.broadcast %rsqrt3A : vector<400x1xf32> to vector<400x128xf32>
    %mul3A_16 = arith.mulf %dot_general3A_15, %mul3A : vector<400x128xf32>
    %swap3A = arith.constant 0 : index
    %swap3A_17 = arith.constant 0 : index
    %swap3A_18 = vector.load %arg5[%swap3A, %swap3A_17] : memref<400x128xf32, #tpu.memory_space<vmem>>, vector<400x128xf32>
    tpu.vector_store %arg5[%swap3A, %swap3A_17], %mul3A_16 {strides = array<i32>} : memref<400x128xf32, #tpu.memory_space<vmem>>, vector<400x128xf32>,
    return
  }
  func.func @transform_0(%arg0: i32) -> (i32, i32) {
    %c0_i32 = arith.constant 0 : i32
    %c0_i32_0 = arith.constant 0 : i32
    return %arg0, %c0_i32 : i32, i32
  }
  func.func @transform_1(%arg0: i32) -> (i32, i32) {
    %c0_i32 = arith.constant 0 : i32
    %c0_i32_0 = arith.constant 0 : i32
    %c0_i32_1 = arith.constant 0 : i32
    return %c0_i32, %c0_i32_0 : i32, i32
  }
  func.func @transform_2(%arg0: i32) -> (i32, i32) {
    %c0_i32 = arith.constant 0 : i32
    %c0_i32_0 = arith.constant 0 : i32
    return %arg0, %c0_i32 : i32, i32
  }
  func.func @transform_3(%arg0: i32) -> (i32, i32) {
    %c0_i32 = arith.constant 0 : i32
    %c0_i32_0 = arith.constant 0 : i32
    return %arg0, %c0_i32 : i32, i32
  }
  func.func @transform_4(%arg0: i32) -> (i32, i32) {
    %c0_i32 = arith.constant 0 : i32
    %c0_i32_0 = arith.constant 0 : i32
    return %arg0, %c0_i32 : i32, i32
  }
}

module attributes {stable_mosaic.version = 14 : i64} {
  func.func @_tc_mid_body(%arg0: i32, %arg1: memref<400x16xf32, #tpu.memory_space<vmem>>, %arg2: memref<400x16xf32, #tpu.memory_space<vmem>>, %arg3: memref<400x128xf32, #tpu.memory_space<vmem>>, %arg4: memref<400x128xf32, #tpu.memory_space<vmem>>, %arg5: memref<400x128xf32, #tpu.memory_space<vmem>>, %arg6: memref<1x128xf32, #tpu.memory_space<vmem>>, %arg7: memref<1x128xf32, #tpu.memory_space<vmem>>, %arg8: memref<1x128xf32, #tpu.memory_space<vmem>>, %arg9: memref<128x128xf32, #tpu.memory_space<vmem>>, %arg10: memref<400x128xf32, #tpu.memory_space<vmem>>) attributes {dimension_semantics = [#tpu.dimension_semantics<arbitrary>], iteration_bounds = array<i64: 25>, scalar_prefetch = 0 : i64, scratch_operands = 0 : i64, tpu.core_type = #tpu.core_type<tc>, window_params = [{transform_indices = @transform_0, window_bounds = array<i64: 400, 16>}, {transform_indices = @transform_1, window_bounds = array<i64: 400, 16>}, {transform_indices = @transform_2, window_bounds = array<i64: 400, 128>}, {transform_indices = @transform_3, window_bounds = array<i64: 400, 128>}, {transform_indices = @transform_4, window_bounds = array<i64: 400, 128>}, {pipeline_mode = #tpu.pipeline_mode<synchronous>, transform_indices = @transform_5, window_bounds = array<i64: 1, 128>}, {pipeline_mode = #tpu.pipeline_mode<synchronous>, transform_indices = @transform_6, window_bounds = array<i64: 1, 128>}, {pipeline_mode = #tpu.pipeline_mode<synchronous>, transform_indices = @transform_7, window_bounds = array<i64: 1, 128>}, {pipeline_mode = #tpu.pipeline_mode<synchronous>, transform_indices = @transform_8, window_bounds = array<i64: 128, 128>}, {transform_indices = @transform_9, window_bounds = array<i64: 400, 128>}]} {
    %get3A = arith.constant 0 : index
    %get3A_0 = arith.constant 0 : index
    %get3A_1 = vector.load %arg1[%get3A, %get3A_0] : memref<400x16xf32, #tpu.memory_space<vmem>>, vector<400x16xf32>
    %get3A_2 = arith.constant 0 : index
    %get3A_3 = arith.constant 0 : index
    %get3A_4 = vector.load %arg2[%get3A_2, %get3A_3] : memref<400x16xf32, #tpu.memory_space<vmem>>, vector<400x16xf32>
    %slice3A = vector.extract_strided_slice %get3A_1 {offsets = [0, 0], sizes = [400, 1], strides = [1, 1]} : vector<400x16xf32> to vector<400x1xf32>
    %slice3A_5 = vector.extract_strided_slice %get3A_4 {offsets = [0, 0], sizes = [400, 1], strides = [1, 1]} : vector<400x16xf32> to vector<400x1xf32>
    %add3A = arith.addf %slice3A, %slice3A_5 : vector<400x1xf32>
    %add3A_6 = arith.constant 1.000000e+00 : f32
    %add3A_7 = vector.broadcast %add3A_6 : f32 to vector<400x1xf32>
    %add3A_8 = arith.addf %add3A, %add3A_7 : vector<400x1xf32>
    %rsqrt3A = math.rsqrt %add3A_8 : vector<400x1xf32>
    %get3A_9 = arith.constant 0 : index
    %get3A_10 = arith.constant 0 : index
    %get3A_11 = vector.load %arg3[%get3A_9, %get3A_10] : memref<400x128xf32, #tpu.memory_space<vmem>>, vector<400x128xf32>
    %get3A_12 = arith.constant 0 : index
    %get3A_13 = arith.constant 0 : index
    %get3A_14 = vector.load %arg4[%get3A_12, %get3A_13] : memref<400x128xf32, #tpu.memory_space<vmem>>, vector<400x128xf32>
    %add3A_15 = arith.addf %get3A_11, %get3A_14 : vector<400x128xf32>
    %get3A_16 = arith.constant 0 : index
    %get3A_17 = arith.constant 0 : index
    %get3A_18 = vector.load %arg5[%get3A_16, %get3A_17] : memref<400x128xf32, #tpu.memory_space<vmem>>, vector<400x128xf32>
    %sub3A = arith.subf %add3A_15, %get3A_18 : vector<400x128xf32>
    %mul3A = vector.broadcast %rsqrt3A : vector<400x1xf32> to vector<400x128xf32>
    %mul3A_19 = arith.mulf %mul3A, %sub3A : vector<400x128xf32>
    %get3A_20 = arith.constant 0 : index
    %get3A_21 = arith.constant 0 : index
    %get3A_22 = vector.load %arg6[%get3A_20, %get3A_21] : memref<1x128xf32, #tpu.memory_space<vmem>>, vector<1x128xf32>
    %add3A_23 = vector.broadcast %get3A_22 : vector<1x128xf32> to vector<400x128xf32>
    %add3A_24 = arith.addf %mul3A_19, %add3A_23 : vector<400x128xf32>
    %get3A_25 = arith.constant 0 : index
    %get3A_26 = arith.constant 0 : index
    %get3A_27 = vector.load %arg7[%get3A_25, %get3A_26] : memref<1x128xf32, #tpu.memory_space<vmem>>, vector<1x128xf32>
    %mul3A_28 = arith.constant 0.999994993 : f32
    %mul3A_29 = vector.broadcast %mul3A_28 : f32 to vector<1x128xf32>
    %mul3A_30 = arith.mulf %get3A_27, %mul3A_29 : vector<1x128xf32>
    %mul3A_31 = vector.broadcast %mul3A_30 : vector<1x128xf32> to vector<400x128xf32>
    %mul3A_32 = arith.mulf %add3A_24, %mul3A_31 : vector<400x128xf32>
    %get3A_33 = arith.constant 0 : index
    %get3A_34 = arith.constant 0 : index
    %get3A_35 = vector.load %arg8[%get3A_33, %get3A_34] : memref<1x128xf32, #tpu.memory_space<vmem>>, vector<1x128xf32>
    %add3A_36 = vector.broadcast %get3A_35 : vector<1x128xf32> to vector<400x128xf32>
    %add3A_37 = arith.addf %mul3A_32, %add3A_36 : vector<400x128xf32>
    %max3A = arith.constant 0.000000e+00 : f32
    %max3A_38 = vector.broadcast %max3A : f32 to vector<400x128xf32>
    %max3A_39 = arith.maximumf %add3A_37, %max3A_38 : vector<400x128xf32>
    %get3A_40 = arith.constant 0 : index
    %get3A_41 = arith.constant 0 : index
    %get3A_42 = vector.load %arg9[%get3A_40, %get3A_41] : memref<128x128xf32, #tpu.memory_space<vmem>>, vector<128x128xf32>
    %dot_general3A = arith.constant dense<0.000000e+00> : vector<400x128xf32>
    %dot_general3A_43 = tpu.matmul %max3A_39, %get3A_42, %dot_general3A {dimension_numbers = #tpu.dot_dimension_numbers<[1], [0], [0], [1], [0, 0, 1, 1], [], []>, transpose_lhs_hint = false} : vector<400x128xf32>, vector<128x128xf32>, vector<400x128xf32> -> vector<400x128xf32>
    %mul3A_44 = vector.broadcast %rsqrt3A : vector<400x1xf32> to vector<400x128xf32>
    %mul3A_45 = arith.mulf %dot_general3A_43, %mul3A_44 : vector<400x128xf32>
    %swap3A = arith.constant 0 : index
    %swap3A_46 = arith.constant 0 : index
    %swap3A_47 = vector.load %arg10[%swap3A, %swap3A_46] : memref<400x128xf32, #tpu.memory_space<vmem>>, vector<400x128xf32>
    tpu.vector_store %arg10[%swap3A, %swap3A_46], %mul3A_45 {strides = array<i32>} : memref<400x128xf32, #tpu.memory_space<vmem>>, vector<400x128xf32>,
    return
  }
  func.func @transform_0(%arg0: i32) -> (i32, i32) {
    %c0_i32 = arith.constant 0 : i32
    %c0_i32_0 = arith.constant 0 : i32
    return %arg0, %c0_i32 : i32, i32
  }
  func.func @transform_1(%arg0: i32) -> (i32, i32) {
    %c0_i32 = arith.constant 0 : i32
    %c0_i32_0 = arith.constant 0 : i32
    return %arg0, %c0_i32 : i32, i32
  }
  func.func @transform_2(%arg0: i32) -> (i32, i32) {
    %c0_i32 = arith.constant 0 : i32
    %c0_i32_0 = arith.constant 0 : i32
    return %arg0, %c0_i32 : i32, i32
  }
  func.func @transform_3(%arg0: i32) -> (i32, i32) {
    %c0_i32 = arith.constant 0 : i32
    %c0_i32_0 = arith.constant 0 : i32
    return %arg0, %c0_i32 : i32, i32
  }
  func.func @transform_4(%arg0: i32) -> (i32, i32) {
    %c0_i32 = arith.constant 0 : i32
    %c0_i32_0 = arith.constant 0 : i32
    return %arg0, %c0_i32 : i32, i32
  }
  func.func @transform_5(%arg0: i32) -> (i32, i32) {
    %c0_i32 = arith.constant 0 : i32
    %c0_i32_0 = arith.constant 0 : i32
    %c0_i32_1 = arith.constant 0 : i32
    return %c0_i32, %c0_i32_0 : i32, i32
  }
  func.func @transform_6(%arg0: i32) -> (i32, i32) {
    %c0_i32 = arith.constant 0 : i32
    %c0_i32_0 = arith.constant 0 : i32
    %c0_i32_1 = arith.constant 0 : i32
    return %c0_i32, %c0_i32_0 : i32, i32
  }
  func.func @transform_7(%arg0: i32) -> (i32, i32) {
    %c0_i32 = arith.constant 0 : i32
    %c0_i32_0 = arith.constant 0 : i32
    %c0_i32_1 = arith.constant 0 : i32
    return %c0_i32, %c0_i32_0 : i32, i32
  }
  func.func @transform_8(%arg0: i32) -> (i32, i32) {
    %c0_i32 = arith.constant 0 : i32
    %c0_i32_0 = arith.constant 0 : i32
    %c0_i32_1 = arith.constant 0 : i32
    return %c0_i32, %c0_i32_0 : i32, i32
  }
  func.func @transform_9(%arg0: i32) -> (i32, i32) {
    %c0_i32 = arith.constant 0 : i32
    %c0_i32_0 = arith.constant 0 : i32
    return %arg0, %c0_i32 : i32, i32
  }
}

module attributes {stable_mosaic.version = 14 : i64} {
  func.func @_tc_out_body(%arg0: i32, %arg1: memref<400x16xf32, #tpu.memory_space<vmem>>, %arg2: memref<400x16xf32, #tpu.memory_space<vmem>>, %arg3: memref<400x128xf32, #tpu.memory_space<vmem>>, %arg4: memref<400x128xf32, #tpu.memory_space<vmem>>, %arg5: memref<400x128xf32, #tpu.memory_space<vmem>>, %arg6: memref<1x128xf32, #tpu.memory_space<vmem>>, %arg7: memref<400x128xf32, #tpu.memory_space<vmem>>) attributes {dimension_semantics = [#tpu.dimension_semantics<arbitrary>], iteration_bounds = array<i64: 25>, scalar_prefetch = 0 : i64, scratch_operands = 0 : i64, tpu.core_type = #tpu.core_type<tc>, window_params = [{transform_indices = @transform_0, window_bounds = array<i64: 400, 16>}, {transform_indices = @transform_1, window_bounds = array<i64: 400, 16>}, {transform_indices = @transform_2, window_bounds = array<i64: 400, 128>}, {transform_indices = @transform_3, window_bounds = array<i64: 400, 128>}, {transform_indices = @transform_4, window_bounds = array<i64: 400, 128>}, {pipeline_mode = #tpu.pipeline_mode<synchronous>, transform_indices = @transform_5, window_bounds = array<i64: 1, 128>}, {transform_indices = @transform_6, window_bounds = array<i64: 400, 128>}]} {
    %get3A = arith.constant 0 : index
    %get3A_0 = arith.constant 0 : index
    %get3A_1 = vector.load %arg1[%get3A, %get3A_0] : memref<400x16xf32, #tpu.memory_space<vmem>>, vector<400x16xf32>
    %get3A_2 = arith.constant 0 : index
    %get3A_3 = arith.constant 0 : index
    %get3A_4 = vector.load %arg2[%get3A_2, %get3A_3] : memref<400x16xf32, #tpu.memory_space<vmem>>, vector<400x16xf32>
    %slice3A = vector.extract_strided_slice %get3A_1 {offsets = [0, 0], sizes = [400, 1], strides = [1, 1]} : vector<400x16xf32> to vector<400x1xf32>
    %slice3A_5 = vector.extract_strided_slice %get3A_4 {offsets = [0, 0], sizes = [400, 1], strides = [1, 1]} : vector<400x16xf32> to vector<400x1xf32>
    %add3A = arith.addf %slice3A, %slice3A_5 : vector<400x1xf32>
    %add3A_6 = arith.constant 1.000000e+00 : f32
    %add3A_7 = vector.broadcast %add3A_6 : f32 to vector<400x1xf32>
    %add3A_8 = arith.addf %add3A, %add3A_7 : vector<400x1xf32>
    %rsqrt3A = math.rsqrt %add3A_8 : vector<400x1xf32>
    %get3A_9 = arith.constant 0 : index
    %get3A_10 = arith.constant 0 : index
    %get3A_11 = vector.load %arg3[%get3A_9, %get3A_10] : memref<400x128xf32, #tpu.memory_space<vmem>>, vector<400x128xf32>
    %get3A_12 = arith.constant 0 : index
    %get3A_13 = arith.constant 0 : index
    %get3A_14 = vector.load %arg4[%get3A_12, %get3A_13] : memref<400x128xf32, #tpu.memory_space<vmem>>, vector<400x128xf32>
    %add3A_15 = arith.addf %get3A_11, %get3A_14 : vector<400x128xf32>
    %get3A_16 = arith.constant 0 : index
    %get3A_17 = arith.constant 0 : index
    %get3A_18 = vector.load %arg5[%get3A_16, %get3A_17] : memref<400x128xf32, #tpu.memory_space<vmem>>, vector<400x128xf32>
    %sub3A = arith.subf %add3A_15, %get3A_18 : vector<400x128xf32>
    %mul3A = vector.broadcast %rsqrt3A : vector<400x1xf32> to vector<400x128xf32>
    %mul3A_19 = arith.mulf %mul3A, %sub3A : vector<400x128xf32>
    %get3A_20 = arith.constant 0 : index
    %get3A_21 = arith.constant 0 : index
    %get3A_22 = vector.load %arg6[%get3A_20, %get3A_21] : memref<1x128xf32, #tpu.memory_space<vmem>>, vector<1x128xf32>
    %add3A_23 = vector.broadcast %get3A_22 : vector<1x128xf32> to vector<400x128xf32>
    %add3A_24 = arith.addf %mul3A_19, %add3A_23 : vector<400x128xf32>
    %reduce_max3A = arith.constant dense<0xFF800000> : vector<400xf32>
    %reduce_max3A_25 = vector.multi_reduction <maximumf>, %add3A_24, %reduce_max3A [1] : vector<400x128xf32> to vector<400xf32>
    %broadcast_in_dim3A = vector.shape_cast %reduce_max3A_25 : vector<400xf32> to vector<400x1xf32>
    %sub3A_26 = vector.broadcast %broadcast_in_dim3A : vector<400x1xf32> to vector<400x128xf32>
    %sub3A_27 = arith.subf %add3A_24, %sub3A_26 : vector<400x128xf32>
    %exp3A = math.exp %sub3A_27 : vector<400x128xf32>
    %sub3A_28 = vector.broadcast %broadcast_in_dim3A : vector<400x1xf32> to vector<400x128xf32>
    %sub3A_29 = arith.subf %add3A_24, %sub3A_28 : vector<400x128xf32>
    %reduce_sum3A = arith.constant dense<0.000000e+00> : vector<400xf32>
    %reduce_sum3A_30 = vector.multi_reduction <add>, %exp3A, %reduce_sum3A [1] : vector<400x128xf32> to vector<400xf32>
    %broadcast_in_dim3A_31 = vector.shape_cast %reduce_sum3A_30 : vector<400xf32> to vector<400x1xf32>
    %log3A = math.log %broadcast_in_dim3A_31 : vector<400x1xf32>
    %sub3A_32 = vector.broadcast %log3A : vector<400x1xf32> to vector<400x128xf32>
    %sub3A_33 = arith.subf %sub3A_29, %sub3A_32 : vector<400x128xf32>
    %swap3A = arith.constant 0 : index
    %swap3A_34 = arith.constant 0 : index
    %swap3A_35 = vector.load %arg7[%swap3A, %swap3A_34] : memref<400x128xf32, #tpu.memory_space<vmem>>, vector<400x128xf32>
    tpu.vector_store %arg7[%swap3A, %swap3A_34], %sub3A_33 {strides = array<i32>} : memref<400x128xf32, #tpu.memory_space<vmem>>, vector<400x128xf32>,
    return
  }
  func.func @transform_0(%arg0: i32) -> (i32, i32) {
    %c0_i32 = arith.constant 0 : i32
    %c0_i32_0 = arith.constant 0 : i32
    return %arg0, %c0_i32 : i32, i32
  }
  func.func @transform_1(%arg0: i32) -> (i32, i32) {
    %c0_i32 = arith.constant 0 : i32
    %c0_i32_0 = arith.constant 0 : i32
    return %arg0, %c0_i32 : i32, i32
  }
  func.func @transform_2(%arg0: i32) -> (i32, i32) {
    %c0_i32 = arith.constant 0 : i32
    %c0_i32_0 = arith.constant 0 : i32
    return %arg0, %c0_i32 : i32, i32
  }
  func.func @transform_3(%arg0: i32) -> (i32, i32) {
    %c0_i32 = arith.constant 0 : i32
    %c0_i32_0 = arith.constant 0 : i32
    return %arg0, %c0_i32 : i32, i32
  }
  func.func @transform_4(%arg0: i32) -> (i32, i32) {
    %c0_i32 = arith.constant 0 : i32
    %c0_i32_0 = arith.constant 0 : i32
    return %arg0, %c0_i32 : i32, i32
  }
  func.func @transform_5(%arg0: i32) -> (i32, i32) {
    %c0_i32 = arith.constant 0 : i32
    %c0_i32_0 = arith.constant 0 : i32
    %c0_i32_1 = arith.constant 0 : i32
    return %c0_i32, %c0_i32_0 : i32, i32
  }
  func.func @transform_6(%arg0: i32) -> (i32, i32) {
    %c0_i32 = arith.constant 0 : i32
    %c0_i32_0 = arith.constant 0 : i32
    return %arg0, %c0_i32 : i32, i32
  }
}

</mosaic_0001>

<sc_bundles>
// kernel: kernel.11.cloned.1.call-start
scs
__scs_entry_jumppad:
0x0: {  	(pc) =	sbr.rel $0x88, $3  }
0x1: {  	(tag) =	ssettag $0x0;
	lr =	simm.s32 $0x1  }
0x2: {  	[smem:$0x3F99] =	sst lr;
	_ =	strace $0xD0000000  }
0x3: {  	_ = 	snop  }
0x4: {  	_ = 	snop  }
0x5: {  	_ = 	snop  }
0x6: {  	_ = 	snop  }
0x7: {  	_ = 	snop  }
__scs_overlays_trampoline_lowered:
0x8: {  	[smem:$0x3FA8] =	sst s0  }
0x9: {  	[smem:$0x3FA9] =	sst s1  }
0xa: {  	[smem:$0x3FAA] =	sst s2  }
0xb: {  	[smem:$0x3FAB] =	sst s3  }
0xc: {  	[smem:$0x3FAC] =	sst s4  }
0xd: {  	[smem:$0x3FAD] =	sst s5  }
0xe: {  	[smem:$0x3FAE] =	sst s6  }
0xf: {  	[smem:$0x3FAF] =	sst s7  }
0x10: {  	[smem:$0x3FB0] =	sst s8  }
0x11: {  	[smem:$0x3FB1] =	sst s9;
	s0 =	simm.s32 @!p0 $0x0  }
0x12: {  	s1 =	sld [smem:$0x3F97];
	s0 =	simm.s32 @p0 $0x1  }
0x13: {  	[smem:$0x3FB2] =	sst s0;
	s0 =	simm.s32 @!p1 $0x0  }
0x14: {  	s2 =	sld [smem:$0x3F96];
	s0 =	simm.s32 @p1 $0x1  }
0x15: {  	[smem:$0x3FB3] =	sst s0;
	s0 =	simm.s32 @!p2 $0x0  }
0x16: {  	s3 =	sld [smem:$0x3FDB];
	s0 =	simm.s32 @p2 $0x1  }
0x17: {  	s4 =	simm.s32 $0x1BF5;
	[smem:$0x3FB5] =	sst s0  }
0x18: {  	s0 =	sld [smem:$0x3F98];
	_ =	swait.ge [sflag:s4], $0x0  }
0x19: {  	s7 =	sld [smem:$0x3F99]  }
0x1a: {  	s8 =	sadd.s32 $0xFFFFE003, lr  }
0x1b: {  	s9 =	sadd.s32 $0xFFFFFEF7, lr;
	s5 =	simm.s32 $0xFFFFFFFF;
	p2 =	slt.u32 s8, $0xFFFFF086  }
0x1c: {  	p1 =	slt.u32 s9, $0xF7A;
	s5 =	simm.s32 @!p2 $0x0  }
0x1d: {  	s5 =	simm.s32 @p1 $0x1;
	p0 =	seq.s32 s7, s2  }
0x1e: {  	s7 =	smul.u32 @!p0 $0xF7A, s2;
	p2 =	seq.s32 @!p0 s5, $0x0  }
0x1f: {  	s9 =	smul.u32 $0xF7A, s1;
	s8 =	simm.s32 @!p0 $0x1BF5;
	p2 =	por !p2, p0  }
0x20: {  	[sflag:s8] =	ssyncset.s32 @!p0 $0xFFFFF086;
	s6 =	sadd.s32 @!p0 s3, s7;
	s7 =	simm.s32 @!p0 $0x108  }
0x21: {  	s3 =	sadd.s32 s3, s9;
	s6 =	sadd.s32 @!p0 $0x88, s6;
	s7 =	simm.s32 @p2 $0x1082  }
0x22: {  	[simem:s7], [sflag:s8] =	dma.local @!p0 [hbm:s6], $0xF7A  }
0x23: {  	s9 =	sor.u32 $0xD0000000, s2;
	s6 =	simm.s32 $0x108;
	_ =	swait.ge @!p0 [sflag:s8], $0x0  }
0x24: {  	s3 =	sadd.s32 $0x88, s3;
	s6 =	simm.s32 @!p1 $0x1082;
	[sflag:s4] =	ssyncset.s32 $0xFFFFF086  }
0x25: {  	[simem:s6], [sflag:s4] =	dma.local [hbm:s3], $0xF7A  }
0x26: {  	[smem:$0x3F99] =	sst s1;
	(tag) =	ssettag s2;
	_ =	strace s9  }
0x27: {  	s1 =	sld [smem:$0x3FA9]  }
0x28: {  	s2 =	sld [smem:$0x3FAA]  }
0x29: {  	s4 =	sld [smem:$0x3FAC]  }
0x2a: {  	p0 =	seq.s32 s5, $0x0;
	s5 =	sld [smem:$0x3FAD]  }
0x2b: {  	s6 =	sld [smem:$0x3FAE]  }
0x2c: {  	s7 =	sld [smem:$0x3FAF]  }
0x2d: {  	s3 =	simm.s32 $0x108;
	s8 =	sld [smem:$0x3FB0]  }
0x2e: {  	s3 =	simm.s32 @!p0 $0x1082;
	s9 =	sld [smem:$0x3FB1]  }
0x2f: {  	lr =	sadd.s32 s0, s3;
	s0 =	sld [smem:$0x3FA8]  }
0x30: {  	s3 =	sld [smem:$0x3FAB]  }
0x31: {  	[smem:$0x3FB4] =	sst s10  }
0x32: {  	s10 =	sld [smem:$0x3FB2];
	_ =	sdelay $0x3  }
0x33: {  	p0 =	seq.s32 s10, $0x1;
	s10 =	sld [smem:$0x3FB4];
	_ =	sdelay $0x3  }
0x34: {  	[smem:$0x3FB4] =	sst s10  }
0x35: {  	s10 =	sld [smem:$0x3FB3];
	_ =	sdelay $0x3  }
0x36: {  	p1 =	seq.s32 s10, $0x1;
	s10 =	sld [smem:$0x3FB4];
	_ =	sdelay $0x3  }
0x37: {  	[smem:$0x3FB4] =	sst s10  }
0x38: {  	s10 =	sld [smem:$0x3FB5]  }
0x39: {  	_ = 	snop;
	(pc) =	sbr.ind lr, $3  }
0x3a: {  	_ = 	snop  }
0x3b: {  	_ = 	snop  }
0x3c: {  	p2 =	seq.s32 s10, $0x1;
	s10 =	sld [smem:$0x3FB4]  }
0x3d: {  	_ =	shalt  }
0x3e: {  	_ =	shalt  }
0x3f: {  	_ =	shalt  }
0x40: {  	_ =	shalt  }
0x41: {  	_ =	shalt  }
0x42: {  	_ =	shalt  }
0x43: {  	_ =	shalt  }
0x44: {  	_ =	shalt  }
0x45: {  	_ =	shalt  }
0x46: {  	_ =	shalt  }
0x47: {  	_ =	shalt  }
0x48: {  	_ =	shalt  }
0x49: {  	_ =	shalt  }
0x4a: {  	_ =	shalt  }
0x4b: {  	_ =	shalt  }
0x4c: {  	_ =	shalt  }
0x4d: {  	_ =	shalt  }
0x4e: {  	_ =	shalt  }
0x4f: {  	_ =	shalt  }
0x50: {  	_ =	shalt  }
0x51: {  	_ =	shalt  }
0x52: {  	_ =	shalt  }
0x53: {  	_ =	shalt  }
0x54: {  	_ =	shalt  }
0x55: {  	_ =	shalt  }
0x56: {  	_ =	shalt  }
0x57: {  	_ =	shalt  }
0x58: {  	_ =	shalt  }
0x59: {  	_ =	shalt  }
0x5a: {  	_ =	shalt  }
0x5b: {  	_ =	shalt  }
0x5c: {  	_ =	shalt  }
0x5d: {  	_ =	shalt  }
0x5e: {  	_ =	shalt  }
0x5f: {  	_ =	shalt  }
0x60: {  	_ =	shalt  }
0x61: {  	_ =	shalt  }
0x62: {  	_ =	shalt  }
0x63: {  	_ =	shalt  }
0x64: {  	_ =	shalt  }
0x65: {  	_ =	shalt  }
0x66: {  	_ =	shalt  }
0x67: {  	_ =	shalt  }
0x68: {  	_ =	shalt  }
0x69: {  	_ =	shalt  }
0x6a: {  	_ =	shalt  }
0x6b: {  	_ =	shalt  }
0x6c: {  	_ =	shalt  }
0x6d: {  	_ =	shalt  }
0x6e: {  	_ =	shalt  }
0x6f: {  	_ =	shalt  }
0x70: {  	_ =	shalt  }
0x71: {  	_ =	shalt  }
0x72: {  	_ =	shalt  }
0x73: {  	_ =	shalt  }
0x74: {  	_ =	shalt  }
0x75: {  	_ =	shalt  }
0x76: {  	_ =	shalt  }
0x77: {  	_ =	shalt  }
0x78: {  	_ =	shalt  }
0x79: {  	_ =	shalt  }
0x7a: {  	_ =	shalt  }
0x7b: {  	_ =	shalt  }
0x7c: {  	_ =	shalt  }
0x7d: {  	_ =	shalt  }
0x7e: {  	_ =	shalt  }
0x7f: {  	_ =	shalt  }
0x80: {  	_ =	shalt  }
0x81: {  	_ =	shalt  }
0x82: {  	_ =	shalt  }
0x83: {  	_ =	shalt  }
0x84: {  	_ =	shalt  }
0x85: {  	_ =	shalt  }
0x86: {  	_ =	shalt  }
0x87: {  	_ =	shalt  }
.Lfunc_end0:
.L_simem_size_0:
called_computation.1_lowered:
.L_overlay_start_0:
0x88: {  	s2 =	sld [smem:$0x3FD9]  }
0x89: {  	s3 =	sld [smem:$0x3FFE];
	_ =	sdelay $0x1  }
0x8a: {  	s1 =	srdreg.scid  }
0x8b: {  	s0 =	sand.u32 $0x1, s1  }
0x8c: {  	s16 =	sshll.u32 s0, $0xA;
	s2 =	sadd.s32 s3, s2  }
0x8d: {  	s2 =	sadd.s32 s2, s16  }
0x8e: {  	[smem:$0x3FC0] =	sst s2  }
0x8f: {  	_ = 	snop  }
0x90: {  	(tm) =	ssettm $0x1  }
0x91: {  	s17 =	sld [smem:$0x3FFB];
	_ =	sdelay $0x3  }
0x92: {  	_ =	strace s17  }
0x93: {  	s2 =	sld [smem:$0x3FFC];
	_ =	sdelay $0x3  }
0x94: {  	_ =	strace s2  }
0x95: {  	s2 =	sld [smem:$0x3FFD];
	_ =	sdelay $0x3  }
0x96: {  	_ =	strace s2  }
0x97: {  	_ =	strace $0x8FFFFFFF  }
0x98: {  	s18 =	sld [smem:$0x3FDB];
	_ =	sdelay $0x1  }
0x99: {  	s19 =	simm.s32 $_scs_section_size  }
0x9a: {  	s4 =	simm.s32 $_size__tile_overlayer_lowered;
	s5 =	simm.s32 $_tile_overlayer_lowered  }
0x9b: {  	s22 =	simm.s32 $0x1BFF;
	s21 =	sshll.u32 s5, $0x1;
	s2 =	sadd.s32 s19, s18  }
0x9c: {  	s6 =	simm.s32 $0x0;
	s20 =	sshll.u32 s4, $0x1;
	s4 =	sadd.s32 s21, s2  }
0x9d: {  	[timem:s6], [sflag:s22] =	dma.local [hbm:s4], s20  }
0x9e: {  	_ =	swait.ge [sflag:s22], s20  }
0x9f: {  	s3 =	ssub.s32 $0x0, s20;
	[sflag:s22] =	ssyncset.done $0x0  }
0xa0: {  	[sflag:s22] =	ssyncadd.s32 s3;
	_ =	sdelay $0x1  }
0xa1: {  	s23 =	simm.s32 $0x1B8B  }
0xa2: {  	_ =	swait.ge [sflag:s23], $0x1  }
0xa3: {  	[sflag:s23] =	ssyncset.done $0x0  }
0xa4: {  	s25 =	simm.s32 $0x1B8E;
	s24 =	sld [smem:$0x3FFE];
	[sflag:s23] =	ssyncadd.s32 $0xFFFFFFFF  }
0xa5: {  	s26 =	simm.s32 $execute0_lowered;
	[smem:$0x3FD2] =	sst s25  }
0xa6: {  	s4 =	sshll.u32 s26, $0x1;
	_ =	strace $0x80000049;
	[dreg:$0x1] =	wrdreg $0xFFFFFFFF  }
0xa7: {  	s28 =	simm.s32 $_size_execute0_lowered;
	s2 =	sadd.s32 s2, s4;
	[dreg:$0x0] =	wrdreg $0x0  }
0xa8: {  	s4 =	sshll.u32 s28, $0x1;
	[dreg:$0x2] =	wrdreg s2  }
0xa9: {  	[dreg:$0x3] =	wrdreg s4  }
0xaa: {  	[dreg:$0x4] =	wrdreg $0xC0  }
0xab: {  	_ =	task [dreg:s6], $0x5FFFF  }
0xac: {  	[dreg:$0x1] =	wrdreg $0xFFFFFFFF  }
0xad: {  	[dreg:$0x0] =	wrdreg $0x60  }
0xae: {  	[dreg:$0x2] =	wrdreg s24  }
0xaf: {  	[dreg:$0x3] =	wrdreg $0x0  }
0xb0: {  	[dreg:$0x4] =	wrdreg $0x9  }
0xb1: {  	_ =	task.clear_ibuf [dreg:s6], $0x5FFFF;
	_ =	strace $0x90000049  }
0xb2: {  	s29 =	simm.s32 $0x9;
	_ =	strace $0x8000004B  }
0xb3: {  	_ =	swait.ge [sflag:s29], $0x1  }
0xb4: {  	[sflag:s29] =	ssyncadd.s32 $0xFFFFFFFF  }
0xb5: {  	_ =	strace $0x9000004B  }
0xb6: {  	_ =	sfence  }
0xb7: {  	s30 =	sld [smem:$0x0];
	_ =	sdelay $0x2  }
0xb8: {  	s31 =	sshll.u32 s1, $0xD;
	s1 =	sshrl.u32 s1, $0x2  }
0xb9: {  	s3 =	sand.u32 $0x4000, s31;
	s1 =	sadd.s32 s1, s30  }
0xba: {  	s0 =	sor.u32 s3, s0;
	s1 =	sshll.u32 s1, $0x11  }
0xbb: {  	s0 =	sor.u32 s1, s0  }
0xbc: {  	s0 =	sadd.s32 $0x8F2B, s0  }
0xbd: {  	[sflag:s0] =	ssyncadd.remote.s32 $0x1  }
0xbe: {  	_ =	sfence.sel $0xFFFF  }
0xbf: {  	[dreg:$0x0] =	wrdreg $0xFFFFFFFF;
	(pc) =	sbr.abs _section_cstart, $3  }
0xc0: {  	[dreg:$0x1] =	wrdreg $0xFFFFFFFF  }
0xc1: {  	_ =	task.clear_ibuf [dreg:s6], $0x2FFFF;
	_ =	strace $0x9FFFFFFF  }
0xc2: {  	(tm) =	ssettm $0x7FFFFFFF  }
0xc3: {  	_ =	shalt  }
tec
execute0_lowered:
.L_overlay_start_1:
0x0: {  	(tag) =	ssettag $0x1  }
0x1: {  	s0 =	rddreg [dreg:$0x0]  }
0x2: {  	s2 =	rddreg [dreg:$0x1]  }
0x3: {  	s1 =	srdreg.scid;
	s14 =	stileid.u32;
	s3 =	simm.s32 $0x0  }
0x4: {  	s15 =	simm.s32 $0x13C00;
	s16 =	simm.s32 $0x15000;
	s17 =	simm.s32 $0x80  }
0x5: {  	s18 =	simm.s32 $0x16400;
	s19 =	simm.s32 $0x13C80;
	s20 =	simm.s32 $0x1A400  }
0x6: {  	s21 =	simm.s32 $0x1;
	s22 =	simm.s32 $0x3;
	s28 =	simm.s32 $0x14F80  }
0x7: {  	s29 =	simm.s32 $0x16300;
	s30 =	simm.s32 $0x16380;
	s31 =	simm.s32 $0x0  }
0x8: {  	s1 =	sand.u32 $0x1, s1;
	s7 =	smul.u32 $0x13C00, s14;
	[smem:$0x7FF] =	sst s3  }
0x9: {  	s4 =	sadd.s32 $0x3D600, s0;
	s5 =	sadd.s32 $0x2400, s0;
	s11 =	smul.u32 $0x4F000, s14  }
0xa: {  	s25 =	sshll.u32 s14, $0x6;
	s6 =	smul.u32 $0x13C000, s1;
	_ =	strace $0x8000004A  }
0xb: {  	s9 =	ssub.s32 $0x2, s1;
	p0 =	seq.s32 s1, $0x1;
	s1 =	simm.s32 $0x0  }
0xc: {  	s10 =	sshrl.u32 s9, $0x1;
	s1 =	simm.s32 @!p0 $0xA0;
	s23 =	sshrl.u32 s11, $0x2  }
0xd: {  	s8 =	sadd.s32 s7, s6;
	s6 =	sadd.s32 $0xC400, s0;
	s12 =	ssub.s32 s9, s10  }
0xe: {  	s7 =	sshrl.u32 s7, $0x3;
	s24 =	smul.u32 $0xCD, s1;
	s13 =	sadd.s32 s23, s2  }
0xf: {  	s9 =	smul.u32 s14, s1;
	s14 =	simm.s32 $0x5;
	s23 =	simm.s32 $0x13D00  }
.Ltmp0:
0x10: {  	s8 =	sshrl.u32 s8, $0x3;
	s7 =	sadd.s32 s4, s7;
	(pc) =	sbr.rel .LBB2_1-.Ltmp0, $4  }
0x11: {  	s12 =	smax.u32 s12, $0x1;
	s13 =	sshrl.u32 s13, $0x3;
	s0 =	sadd.s32 s8, s0  }
0x12: {  	[dreg:$0x3] =	wrdreg s7;
	s8 =	sor.u32 $0x1C05, s25;
	s26 =	sshrl.u32 s24, $0xD  }
0x13: {  	s24 =	simm.s32 $0x2;
	s25 =	simm.s32 $0x15080;
	s0 =	sadd.s32 $0x64E00, s0  }
0x14: {  	s11 =	smax.u32 s26, $0x1;
	s26 =	simm.s32 $0x4;
	[dreg:$0x4] =	wrdreg s0  }
.LBB2_5:
0x15: {  	s31 =	sadd.s32 $0x1, s31  }
0x16: {  	[bflag:$0x0] =	sbarrier.arrive $0xFFFF;
	p1 =	sne.s32 s31, s12  }
.Ltmp1:
0x17: {  	s0 =	rddreg [dreg:$0x4];
	(pc) =	sbr.rel @!p1 .LBB2_6-.Ltmp1, $4  }
0x18: {  	[hbm:s0], [sflag:s8] =	dma.local [spmem:s13], $0x2780  }
0x19: {  	_ =	swait.ge [sflag:s14], $0x2780  }
0x1a: {  	[sflag:s14] =	ssyncset.done $0x0  }
0x1b: {  	[sflag:s14] =	ssyncadd.s32 $0xFFFFD880  }
.LBB2_1:
0x1c: {  	s0 =	rddreg [dreg:$0x3]  }
0x1d: {  	[spmem:s13], [sflag:s8] =	dma.local [hbm:s0], $0x2780  }
.Ltmp2:
0x1e: {  	_ =	swait.ge [sflag:s14], $0x2780;
	(pc) =	sbr.rel @p0 .LBB2_5-.Ltmp2, $4  }
0x1f: {  	[sflag:s14] =	ssyncset.done $0x0  }
0x20: {  	[sflag:s14] =	ssyncadd.s32 $0xFFFFD880  }
0x21: {  	[bflag:$0x0] =	sbarrier.arrive $0xFFFF  }
0x22: {  	s0 =	simm.s32 $0x0  }
.LBB2_2:
0x23: {  	s1 =	smul.u32 $0x28, s0;
	_ =	sdelay $0x1  }
0x24: {  	s1 =	sadd.s32 s1, s9  }
0x25: {  	s1 =	sshll.u32 s1, $0x4  }
0x26: {  	s7 =	sadd.s32 s5, s1  }
0x27: {  	[tilespmem:s15], [sflag:$0x5] =	stream.linear.gather [hbm4b:s7+s3], $0x1400, $0x38;
	[tilespmem:$0x1E400] =	vst v63  }
0x28: {  	_ =	swait.ge [sflag:s14], $0x1400  }
0x29: {  	[sflag:s14] =	ssyncset.done $0x0  }
0x2a: {  	s1 =	sadd.s32 s6, s1;
	[sflag:s14] =	ssyncadd.s32 $0xFFFFEC00  }
0x2b: {  	[tilespmem:s16], [sflag:$0x5] =	stream.linear.gather [hbm4b:s1+s3], $0x1400, $0x38;
	[tilespmem:$0x1E400] =	vst v63  }
0x2c: {  	_ =	swait.ge [sflag:s14], $0x1400  }
0x2d: {  	[sflag:s14] =	ssyncset.done $0x0  }
0x2e: {  	[sflag:s14] =	ssyncadd.s32 $0xFFFFEC00  }
0x2f: {  	[tilespmem:s18], [sflag:$0x1] =	stream.indirect.gather [hbm4b:s4+s17], $0x80, s15, s17, $0xb8;
	[tilespmem:$0x1E400] =	vst v63  }
0x30: {  	_ = 	snop  }
0x31: {  	[tilespmem:s20], [sflag:$0x2] =	stream.indirect.gather [hbm4b:s4+s17], $0x80, s19, s17, $0xb8;
	[tilespmem:$0x1E400] =	vst v63  }
0x32: {  	_ =	swait.ge [sflag:s21], $0x4000  }
0x33: {  	[sflag:s21] =	ssyncset.done $0x0  }
0x34: {  	[sflag:s21] =	ssyncadd.s32 $0xFFFFC000  }
0x35: {  	[spmem:s2] =	stream.indirect.scatter.add.f32 [tilespmem:s18], [sflag:$0x3], $0x80, s16, s17, $0xb8;
	[tilespmem:$0x1E400] =	vst v63  }
0x36: {  	_ =	swait.ge [sflag:s22], $0x4000  }
0x37: {  	[sflag:s22] =	ssyncset.done $0x0  }
0x38: {  	[sflag:s22] =	ssyncadd.s32 $0xFFFFC000  }
0x39: {  	[tilespmem:s18], [sflag:$0x1] =	stream.indirect.gather [hbm4b:s4+s17], $0x80, s23, s17, $0xb8;
	[tilespmem:$0x1E400] =	vst v63  }
0x3a: {  	_ =	swait.ge [sflag:s24], $0x4000  }
0x3b: {  	[sflag:s24] =	ssyncset.done $0x0  }
0x3c: {  	[sflag:s24] =	ssyncadd.s32 $0xFFFFC000  }
0x3d: {  	[spmem:s2] =	stream.indirect.scatter.add.f32 [tilespmem:s20], [sflag:$0x4], $0x80, s25, s17, $0xb8;
	[tilespmem:$0x1E400] =	vst v63  }
0x3e: {  	_ =	swait.ge [sflag:s26], $0x4000  }
0x3f: {  	[sflag:s26] =	ssyncset.done $0x0  }
0x40: {  	s10 =	simm.s32 $0x13D80;
	[sflag:s26] =	ssyncadd.s32 $0xFFFFC000  }
0x41: {  	[tilespmem:s20], [sflag:$0x2] =	stream.indirect.gather [hbm4b:s4+s17], $0x80, s10, s17, $0xb8;
	[tilespmem:$0x1E400] =	vst v63  }
0x42: {  	_ =	swait.ge [sflag:s21], $0x4000  }
0x43: {  	[sflag:s21] =	ssyncset.done $0x0  }
0x44: {  	s7 =	simm.s32 $0x15100;
	[sflag:s21] =	ssyncadd.s32 $0xFFFFC000  }
0x45: {  	[spmem:s2] =	stream.indirect.scatter.add.f32 [tilespmem:s18], [sflag:$0x3], $0x80, s7, s17, $0xb8;
	[tilespmem:$0x1E400] =	vst v63  }
0x46: {  	_ =	swait.ge [sflag:s22], $0x4000  }
0x47: {  	[sflag:s22] =	ssyncset.done $0x0  }
0x48: {  	s10 =	simm.s32 $0x13E00;
	[sflag:s22] =	ssyncadd.s32 $0xFFFFC000  }
0x49: {  	[tilespmem:s18], [sflag:$0x1] =	stream.indirect.gather [hbm4b:s4+s17], $0x80, s10, s17, $0xb8;
	[tilespmem:$0x1E400] =	vst v63  }
0x4a: {  	_ =	swait.ge [sflag:s24], $0x4000  }
0x4b: {  	[sflag:s24] =	ssyncset.done $0x0  }
0x4c: {  	s1 =	simm.s32 $0xFFFFBC00;
	s7 =	simm.s32 $0x15180;
	[sflag:s24] =	ssyncadd.s32 $0xFFFFC000  }
.LBB2_3:
0x4d: {  	[spmem:s2] =	stream.indirect.scatter.add.f32 [tilespmem:s20], [sflag:$0x4], $0x80, s7, s17, $0xb8;
	[tilespmem:$0x1E400] =	vst v63  }
0x4e: {  	s7 =	smov.u32 s1  }
0x4f: {  	p1 =	sne.s32 s1, $0xFFFFFC00;
	s1 =	sadd.s32 $0x400, s1;
	_ =	swait.ge [sflag:s26], $0x4000  }
0x50: {  	s7 =	sshra.s32 s7, $0x2;
	[sflag:s26] =	ssyncset.done $0x0  }
0x51: {  	s10 =	sadd.s32 $0x14F80, s7;
	[sflag:s26] =	ssyncadd.s32 $0xFFFFC000  }
0x52: {  	[tilespmem:s20], [sflag:$0x2] =	stream.indirect.gather [hbm4b:s4+s17], $0x80, s10, s17, $0xb8;
	[tilespmem:$0x1E400] =	vst v63  }
0x53: {  	_ =	swait.ge [sflag:s21], $0x4000  }
0x54: {  	[sflag:s21] =	ssyncset.done $0x0  }
0x55: {  	s10 =	sadd.s32 $0x16300, s7;
	[sflag:s21] =	ssyncadd.s32 $0xFFFFC000  }
0x56: {  	[spmem:s2] =	stream.indirect.scatter.add.f32 [tilespmem:s18], [sflag:$0x3], $0x80, s10, s17, $0xb8;
	[tilespmem:$0x1E400] =	vst v63  }
0x57: {  	_ =	swait.ge [sflag:s22], $0x4000  }
0x58: {  	[sflag:s22] =	ssyncset.done $0x0  }
.Ltmp3:
0x59: {  	s10 =	sadd.s32 $0x15000, s7;
	[sflag:s22] =	ssyncadd.s32 $0xFFFFC000;
	(pc) =	sbr.rel @p1 .LBB2_3-.Ltmp3, $4  }
0x5a: {  	[tilespmem:s18], [sflag:$0x1] =	stream.indirect.gather [hbm4b:s4+s17], $0x80, s10, s17, $0xb8;
	[tilespmem:$0x1E400] =	vst v63  }
0x5b: {  	_ =	swait.ge [sflag:s24], $0x4000  }
0x5c: {  	[sflag:s24] =	ssyncset.done $0x0  }
0x5d: {  	s7 =	sadd.s32 $0x16380, s7;
	[sflag:s24] =	ssyncadd.s32 $0xFFFFC000  }
0x5e: {  	[spmem:s2] =	stream.indirect.scatter.add.f32 [tilespmem:s20], [sflag:$0x4], $0x80, s7, s17, $0xb8;
	[tilespmem:$0x1E400] =	vst v63  }
0x5f: {  	_ =	swait.ge [sflag:s26], $0x4000  }
0x60: {  	[sflag:s26] =	ssyncset.done $0x0  }
0x61: {  	[sflag:s26] =	ssyncadd.s32 $0xFFFFC000  }
0x62: {  	[tilespmem:s20], [sflag:$0x2] =	stream.indirect.gather [hbm4b:s4+s17], $0x80, s28, s17, $0xb8;
	[tilespmem:$0x1E400] =	vst v63  }
0x63: {  	_ =	swait.ge [sflag:s21], $0x4000  }
0x64: {  	[sflag:s21] =	ssyncset.done $0x0  }
0x65: {  	[sflag:s21] =	ssyncadd.s32 $0xFFFFC000  }
0x66: {  	[spmem:s2] =	stream.indirect.scatter.add.f32 [tilespmem:s18], [sflag:$0x3], $0x80, s29, s17, $0xb8;
	[tilespmem:$0x1E400] =	vst v63  }
0x67: {  	_ =	swait.ge [sflag:s22], $0x4000  }
0x68: {  	[sflag:s22] =	ssyncset.done $0x0  }
0x69: {  	[sflag:s22] =	ssyncadd.s32 $0xFFFFC000  }
0x6a: {  	_ =	swait.ge [sflag:s24], $0x4000  }
0x6b: {  	s0 =	sadd.s32 $0x1, s0;
	[sflag:s24] =	ssyncset.done $0x0  }
0x6c: {  	p1 =	sne.s32 s0, s11;
	[sflag:s24] =	ssyncadd.s32 $0xFFFFC000  }
0x6d: {  	[spmem:s2] =	stream.indirect.scatter.add.f32 [tilespmem:s20], [sflag:$0x4], $0x80, s30, s17, $0xb8;
	[tilespmem:$0x1E400] =	vst v63  }
.Ltmp4:
0x6e: {  	_ = 	snop;
	(pc) =	sbr.rel @p1 .LBB2_2-.Ltmp4, $4  }
.Ltmp5:
0x6f: {  	_ = 	snop;
	(pc) =	sbr.rel @!p1 .LBB2_5-.Ltmp5, $4  }
0x70: {  	_ =	swait.ge [sflag:s26], $0x4000  }
0x71: {  	[sflag:s26] =	ssyncset.done $0x0  }
0x72: {  	[sflag:s26] =	ssyncadd.s32 $0xFFFFC000  }
0x73: {  	_ = 	snop  }
.LBB2_6:
0x74: {  	_ =	sfence.sel $0x180000  }
0x75: {  	[bflag:$0x0] =	sbarrier.arrive $0xFFFF  }
0x76: {  	_ =	strace $0x9000004A  }
0x77: {  	s0 =	stileid.u32;
	[bflag:$0x2] =	sbarrier.arrive $0xFFFF  }
0x78: {  	p0 =	sne.s32 s0, $0x0;
	s0 =	rddreg [dreg:$0x2]  }
0x79: {  	s0 =	sadd.s32 @!p0 $0x100000, s0  }
0x7a: {  	[sflag:s0] =	ssyncadd.tile.s32 @!p0 $0x1;
	_ =	shalt  }
.Lfunc_end2:
_tile_overlayer_lowered:
.L_overlay_start_2:
0x7b: {  	(tag) =	ssettag $0x2  }
0x7c: {  	s0 =	rddreg [dreg:$0x0];
	s2 =	stileid.u32  }
0x7d: {  	s1 =	rddreg [dreg:$0x1];
	p0 =	sne.s32 s2, $0x0  }
0x7e: {  	s3 =	rddreg [dreg:$0x2];
	[bflag:$0x3] =	sbarrier.arrive $0xFFFF;
	s2 =	simm.s32 @!p0 $0x1C05  }
0x7f: {  	[timem:s3], [sflag:s2] =	dma.local @!p0 [hbm:s0], s1  }
0x80: {  	s0 =	simm.s32 @!p0 $0x5  }
0x81: {  	_ =	swait.ge @!p0 [sflag:s0], s1  }
0x82: {  	s1 =	ssub.s32 @!p0 $0x0, s1;
	[sflag:s0] =	ssyncset.done @!p0 $0x0  }
0x83: {  	[sflag:s0] =	ssyncadd.s32 @!p0 s1  }
0x84: {  	[bflag:$0x3] =	sbarrier.arrive $0xFFFF  }
0x85: {  	_ =	shalt  }

// kernel: kernel.14.cloned.1.call-start
scs
__scs_entry_jumppad:
0x0: {  	(pc) =	sbr.rel $0x88, $3  }
0x1: {  	(tag) =	ssettag $0x0;
	lr =	simm.s32 $0x1  }
0x2: {  	[smem:$0x3F99] =	sst lr;
	_ =	strace $0xD0000000  }
0x3: {  	_ = 	snop  }
0x4: {  	_ = 	snop  }
0x5: {  	_ = 	snop  }
0x6: {  	_ = 	snop  }
0x7: {  	_ = 	snop  }
__scs_overlays_trampoline_lowered:
0x8: {  	[smem:$0x3FA8] =	sst s0  }
0x9: {  	[smem:$0x3FA9] =	sst s1  }
0xa: {  	[smem:$0x3FAA] =	sst s2  }
0xb: {  	[smem:$0x3FAB] =	sst s3  }
0xc: {  	[smem:$0x3FAC] =	sst s4  }
0xd: {  	[smem:$0x3FAD] =	sst s5  }
0xe: {  	[smem:$0x3FAE] =	sst s6  }
0xf: {  	[smem:$0x3FAF] =	sst s7  }
0x10: {  	[smem:$0x3FB0] =	sst s8  }
0x11: {  	[smem:$0x3FB1] =	sst s9;
	s0 =	simm.s32 @!p0 $0x0  }
0x12: {  	s1 =	sld [smem:$0x3F97];
	s0 =	simm.s32 @p0 $0x1  }
0x13: {  	[smem:$0x3FB2] =	sst s0;
	s0 =	simm.s32 @!p1 $0x0  }
0x14: {  	s2 =	sld [smem:$0x3F96];
	s0 =	simm.s32 @p1 $0x1  }
0x15: {  	[smem:$0x3FB3] =	sst s0;
	s0 =	simm.s32 @!p2 $0x0  }
0x16: {  	s3 =	sld [smem:$0x3FDB];
	s0 =	simm.s32 @p2 $0x1  }
0x17: {  	s4 =	simm.s32 $0x1BF5;
	[smem:$0x3FB5] =	sst s0  }
0x18: {  	s0 =	sld [smem:$0x3F98];
	_ =	swait.ge [sflag:s4], $0x0  }
0x19: {  	s7 =	sld [smem:$0x3F99]  }
0x1a: {  	s8 =	sadd.s32 $0xFFFFE003, lr  }
0x1b: {  	s9 =	sadd.s32 $0xFFFFFEF7, lr;
	s5 =	simm.s32 $0xFFFFFFFF;
	p2 =	slt.u32 s8, $0xFFFFF086  }
0x1c: {  	p1 =	slt.u32 s9, $0xF7A;
	s5 =	simm.s32 @!p2 $0x0  }
0x1d: {  	s5 =	simm.s32 @p1 $0x1;
	p0 =	seq.s32 s7, s2  }
0x1e: {  	s7 =	smul.u32 @!p0 $0xF7A, s2;
	p2 =	seq.s32 @!p0 s5, $0x0  }
0x1f: {  	s9 =	smul.u32 $0xF7A, s1;
	s8 =	simm.s32 @!p0 $0x1BF5;
	p2 =	por !p2, p0  }
0x20: {  	[sflag:s8] =	ssyncset.s32 @!p0 $0xFFFFF086;
	s6 =	sadd.s32 @!p0 s3, s7;
	s7 =	simm.s32 @!p0 $0x108  }
0x21: {  	s3 =	sadd.s32 s3, s9;
	s6 =	sadd.s32 @!p0 $0x88, s6;
	s7 =	simm.s32 @p2 $0x1082  }
0x22: {  	[simem:s7], [sflag:s8] =	dma.local @!p0 [hbm:s6], $0xF7A  }
0x23: {  	s9 =	sor.u32 $0xD0000000, s2;
	s6 =	simm.s32 $0x108;
	_ =	swait.ge @!p0 [sflag:s8], $0x0  }
0x24: {  	s3 =	sadd.s32 $0x88, s3;
	s6 =	simm.s32 @!p1 $0x1082;
	[sflag:s4] =	ssyncset.s32 $0xFFFFF086  }
0x25: {  	[simem:s6], [sflag:s4] =	dma.local [hbm:s3], $0xF7A  }
0x26: {  	[smem:$0x3F99] =	sst s1;
	(tag) =	ssettag s2;
	_ =	strace s9  }
0x27: {  	s1 =	sld [smem:$0x3FA9]  }
0x28: {  	s2 =	sld [smem:$0x3FAA]  }
0x29: {  	s4 =	sld [smem:$0x3FAC]  }
0x2a: {  	p0 =	seq.s32 s5, $0x0;
	s5 =	sld [smem:$0x3FAD]  }
0x2b: {  	s6 =	sld [smem:$0x3FAE]  }
0x2c: {  	s7 =	sld [smem:$0x3FAF]  }
0x2d: {  	s3 =	simm.s32 $0x108;
	s8 =	sld [smem:$0x3FB0]  }
0x2e: {  	s3 =	simm.s32 @!p0 $0x1082;
	s9 =	sld [smem:$0x3FB1]  }
0x2f: {  	lr =	sadd.s32 s0, s3;
	s0 =	sld [smem:$0x3FA8]  }
0x30: {  	s3 =	sld [smem:$0x3FAB]  }
0x31: {  	[smem:$0x3FB4] =	sst s10  }
0x32: {  	s10 =	sld [smem:$0x3FB2];
	_ =	sdelay $0x3  }
0x33: {  	p0 =	seq.s32 s10, $0x1;
	s10 =	sld [smem:$0x3FB4];
	_ =	sdelay $0x3  }
0x34: {  	[smem:$0x3FB4] =	sst s10  }
0x35: {  	s10 =	sld [smem:$0x3FB3];
	_ =	sdelay $0x3  }
0x36: {  	p1 =	seq.s32 s10, $0x1;
	s10 =	sld [smem:$0x3FB4];
	_ =	sdelay $0x3  }
0x37: {  	[smem:$0x3FB4] =	sst s10  }
0x38: {  	s10 =	sld [smem:$0x3FB5]  }
0x39: {  	_ = 	snop;
	(pc) =	sbr.ind lr, $3  }
0x3a: {  	_ = 	snop  }
0x3b: {  	_ = 	snop  }
0x3c: {  	p2 =	seq.s32 s10, $0x1;
	s10 =	sld [smem:$0x3FB4]  }
0x3d: {  	_ =	shalt  }
0x3e: {  	_ =	shalt  }
0x3f: {  	_ =	shalt  }
0x40: {  	_ =	shalt  }
0x41: {  	_ =	shalt  }
0x42: {  	_ =	shalt  }
0x43: {  	_ =	shalt  }
0x44: {  	_ =	shalt  }
0x45: {  	_ =	shalt  }
0x46: {  	_ =	shalt  }
0x47: {  	_ =	shalt  }
0x48: {  	_ =	shalt  }
0x49: {  	_ =	shalt  }
0x4a: {  	_ =	shalt  }
0x4b: {  	_ =	shalt  }
0x4c: {  	_ =	shalt  }
0x4d: {  	_ =	shalt  }
0x4e: {  	_ =	shalt  }
0x4f: {  	_ =	shalt  }
0x50: {  	_ =	shalt  }
0x51: {  	_ =	shalt  }
0x52: {  	_ =	shalt  }
0x53: {  	_ =	shalt  }
0x54: {  	_ =	shalt  }
0x55: {  	_ =	shalt  }
0x56: {  	_ =	shalt  }
0x57: {  	_ =	shalt  }
0x58: {  	_ =	shalt  }
0x59: {  	_ =	shalt  }
0x5a: {  	_ =	shalt  }
0x5b: {  	_ =	shalt  }
0x5c: {  	_ =	shalt  }
0x5d: {  	_ =	shalt  }
0x5e: {  	_ =	shalt  }
0x5f: {  	_ =	shalt  }
0x60: {  	_ =	shalt  }
0x61: {  	_ =	shalt  }
0x62: {  	_ =	shalt  }
0x63: {  	_ =	shalt  }
0x64: {  	_ =	shalt  }
0x65: {  	_ =	shalt  }
0x66: {  	_ =	shalt  }
0x67: {  	_ =	shalt  }
0x68: {  	_ =	shalt  }
0x69: {  	_ =	shalt  }
0x6a: {  	_ =	shalt  }
0x6b: {  	_ =	shalt  }
0x6c: {  	_ =	shalt  }
0x6d: {  	_ =	shalt  }
0x6e: {  	_ =	shalt  }
0x6f: {  	_ =	shalt  }
0x70: {  	_ =	shalt  }
0x71: {  	_ =	shalt  }
0x72: {  	_ =	shalt  }
0x73: {  	_ =	shalt  }
0x74: {  	_ =	shalt  }
0x75: {  	_ =	shalt  }
0x76: {  	_ =	shalt  }
0x77: {  	_ =	shalt  }
0x78: {  	_ =	shalt  }
0x79: {  	_ =	shalt  }
0x7a: {  	_ =	shalt  }
0x7b: {  	_ =	shalt  }
0x7c: {  	_ =	shalt  }
0x7d: {  	_ =	shalt  }
0x7e: {  	_ =	shalt  }
0x7f: {  	_ =	shalt  }
0x80: {  	_ =	shalt  }
0x81: {  	_ =	shalt  }
0x82: {  	_ =	shalt  }
0x83: {  	_ =	shalt  }
0x84: {  	_ =	shalt  }
0x85: {  	_ =	shalt  }
0x86: {  	_ =	shalt  }
0x87: {  	_ =	shalt  }
.Lfunc_end0:
.L_simem_size_0:
called_computation.2_lowered:
.L_overlay_start_0:
0x88: {  	s2 =	sld [smem:$0x3FD9]  }
0x89: {  	s3 =	sld [smem:$0x3FFE];
	_ =	sdelay $0x1  }
0x8a: {  	s1 =	srdreg.scid  }
0x8b: {  	s0 =	sand.u32 $0x1, s1  }
0x8c: {  	s16 =	sshll.u32 s0, $0xA;
	s2 =	sadd.s32 s3, s2  }
0x8d: {  	s2 =	sadd.s32 s2, s16  }
0x8e: {  	[smem:$0x3FC0] =	sst s2  }
0x8f: {  	_ = 	snop  }
0x90: {  	(tm) =	ssettm $0x1  }
0x91: {  	s17 =	sld [smem:$0x3FFB];
	_ =	sdelay $0x3  }
0x92: {  	_ =	strace s17  }
0x93: {  	s2 =	sld [smem:$0x3FFC];
	_ =	sdelay $0x3  }
0x94: {  	_ =	strace s2  }
0x95: {  	s2 =	sld [smem:$0x3FFD];
	_ =	sdelay $0x3  }
0x96: {  	_ =	strace s2  }
0x97: {  	_ =	strace $0x8FFFFFFF  }
0x98: {  	s18 =	sld [smem:$0x3FDB];
	_ =	sdelay $0x1  }
0x99: {  	s19 =	simm.s32 $_scs_section_size  }
0x9a: {  	s4 =	simm.s32 $_size__tile_overlayer_lowered;
	s5 =	simm.s32 $_tile_overlayer_lowered  }
0x9b: {  	s22 =	simm.s32 $0x1BFF;
	s21 =	sshll.u32 s5, $0x1;
	s2 =	sadd.s32 s19, s18  }
0x9c: {  	s6 =	simm.s32 $0x0;
	s20 =	sshll.u32 s4, $0x1;
	s4 =	sadd.s32 s21, s2  }
0x9d: {  	[timem:s6], [sflag:s22] =	dma.local [hbm:s4], s20  }
0x9e: {  	_ =	swait.ge [sflag:s22], s20  }
0x9f: {  	s3 =	ssub.s32 $0x0, s20;
	[sflag:s22] =	ssyncset.done $0x0  }
0xa0: {  	[sflag:s22] =	ssyncadd.s32 s3;
	_ =	sdelay $0x1  }
0xa1: {  	s23 =	simm.s32 $0x1B8B  }
0xa2: {  	_ =	swait.ge [sflag:s23], $0x1  }
0xa3: {  	[sflag:s23] =	ssyncset.done $0x0  }
0xa4: {  	s25 =	simm.s32 $0x1B8E;
	s24 =	sld [smem:$0x3FFE];
	[sflag:s23] =	ssyncadd.s32 $0xFFFFFFFF  }
0xa5: {  	s26 =	simm.s32 $execute0_lowered;
	[smem:$0x3FD2] =	sst s25  }
0xa6: {  	s4 =	sshll.u32 s26, $0x1;
	_ =	strace $0x8000004C;
	[dreg:$0x1] =	wrdreg $0xFFFFFFFF  }
0xa7: {  	s28 =	simm.s32 $_size_execute0_lowered;
	s2 =	sadd.s32 s2, s4;
	[dreg:$0x0] =	wrdreg $0x0  }
0xa8: {  	s4 =	sshll.u32 s28, $0x1;
	[dreg:$0x2] =	wrdreg s2  }
0xa9: {  	[dreg:$0x3] =	wrdreg s4  }
0xaa: {  	[dreg:$0x4] =	wrdreg $0xC0  }
0xab: {  	_ =	task [dreg:s6], $0x5FFFF  }
0xac: {  	[dreg:$0x1] =	wrdreg $0xFFFFFFFF  }
0xad: {  	[dreg:$0x0] =	wrdreg $0x60  }
0xae: {  	[dreg:$0x2] =	wrdreg s24  }
0xaf: {  	[dreg:$0x3] =	wrdreg $0x0  }
0xb0: {  	[dreg:$0x4] =	wrdreg $0x9  }
0xb1: {  	_ =	task.clear_ibuf [dreg:s6], $0x5FFFF;
	_ =	strace $0x9000004C  }
0xb2: {  	s29 =	simm.s32 $0x9;
	_ =	strace $0x8000004E  }
0xb3: {  	_ =	swait.ge [sflag:s29], $0x1  }
0xb4: {  	[sflag:s29] =	ssyncadd.s32 $0xFFFFFFFF  }
0xb5: {  	_ =	strace $0x9000004E  }
0xb6: {  	_ =	sfence  }
0xb7: {  	s30 =	sld [smem:$0x0];
	_ =	sdelay $0x2  }
0xb8: {  	s31 =	sshll.u32 s1, $0xD;
	s1 =	sshrl.u32 s1, $0x2  }
0xb9: {  	s3 =	sand.u32 $0x4000, s31;
	s1 =	sadd.s32 s1, s30  }
0xba: {  	s0 =	sor.u32 s3, s0;
	s1 =	sshll.u32 s1, $0x11  }
0xbb: {  	s0 =	sor.u32 s1, s0  }
0xbc: {  	s0 =	sadd.s32 $0x8F2B, s0  }
0xbd: {  	[sflag:s0] =	ssyncadd.remote.s32 $0x1  }
0xbe: {  	_ =	sfence.sel $0xFFFF  }
0xbf: {  	[dreg:$0x0] =	wrdreg $0xFFFFFFFF;
	(pc) =	sbr.abs _section_cstart, $3  }
0xc0: {  	[dreg:$0x1] =	wrdreg $0xFFFFFFFF  }
0xc1: {  	_ =	task.clear_ibuf [dreg:s6], $0x2FFFF;
	_ =	strace $0x9FFFFFFF  }
0xc2: {  	(tm) =	ssettm $0x7FFFFFFF  }
0xc3: {  	_ =	shalt  }
tec
execute0_lowered:
.L_overlay_start_1:
0x0: {  	(tag) =	ssettag $0x1  }
0x1: {  	s0 =	rddreg [dreg:$0x0]  }
0x2: {  	s2 =	rddreg [dreg:$0x1]  }
0x3: {  	s1 =	srdreg.scid;
	s14 =	stileid.u32;
	s3 =	simm.s32 $0x0  }
0x4: {  	s15 =	simm.s32 $0x13C00;
	s16 =	simm.s32 $0x15000;
	s17 =	simm.s32 $0x80  }
0x5: {  	s18 =	simm.s32 $0x16400;
	s19 =	simm.s32 $0x13C80;
	s20 =	simm.s32 $0x1A400  }
0x6: {  	s21 =	simm.s32 $0x1;
	s22 =	simm.s32 $0x3;
	s28 =	simm.s32 $0x14F80  }
0x7: {  	s29 =	simm.s32 $0x16300;
	s30 =	simm.s32 $0x16380;
	s31 =	simm.s32 $0x0  }
0x8: {  	s1 =	sand.u32 $0x1, s1;
	s7 =	smul.u32 $0x13C00, s14;
	[smem:$0x7FF] =	sst s3  }
0x9: {  	s4 =	sadd.s32 $0x3D600, s0;
	s5 =	sadd.s32 $0x2400, s0;
	s11 =	smul.u32 $0x4F000, s14  }
0xa: {  	s25 =	sshll.u32 s14, $0x6;
	s6 =	smul.u32 $0x13C000, s1;
	_ =	strace $0x8000004D  }
0xb: {  	s9 =	ssub.s32 $0x2, s1;
	p0 =	seq.s32 s1, $0x1;
	s1 =	simm.s32 $0x0  }
0xc: {  	s10 =	sshrl.u32 s9, $0x1;
	s1 =	simm.s32 @!p0 $0xA0;
	s23 =	sshrl.u32 s11, $0x2  }
0xd: {  	s8 =	sadd.s32 s7, s6;
	s6 =	sadd.s32 $0xC400, s0;
	s12 =	ssub.s32 s9, s10  }
0xe: {  	s7 =	sshrl.u32 s7, $0x3;
	s24 =	smul.u32 $0xCD, s1;
	s13 =	sadd.s32 s23, s2  }
0xf: {  	s9 =	smul.u32 s14, s1;
	s14 =	simm.s32 $0x5;
	s23 =	simm.s32 $0x13D00  }
.Ltmp0:
0x10: {  	s8 =	sshrl.u32 s8, $0x3;
	s7 =	sadd.s32 s4, s7;
	(pc) =	sbr.rel .LBB2_1-.Ltmp0, $4  }
0x11: {  	s12 =	smax.u32 s12, $0x1;
	s13 =	sshrl.u32 s13, $0x3;
	s0 =	sadd.s32 s8, s0  }
0x12: {  	[dreg:$0x3] =	wrdreg s7;
	s8 =	sor.u32 $0x1C05, s25;
	s26 =	sshrl.u32 s24, $0xD  }
0x13: {  	s24 =	simm.s32 $0x2;
	s25 =	simm.s32 $0x15080;
	s0 =	sadd.s32 $0x64E00, s0  }
0x14: {  	s11 =	smax.u32 s26, $0x1;
	s26 =	simm.s32 $0x4;
	[dreg:$0x4] =	wrdreg s0  }
.LBB2_5:
0x15: {  	s31 =	sadd.s32 $0x1, s31  }
0x16: {  	[bflag:$0x0] =	sbarrier.arrive $0xFFFF;
	p1 =	sne.s32 s31, s12  }
.Ltmp1:
0x17: {  	s0 =	rddreg [dreg:$0x4];
	(pc) =	sbr.rel @!p1 .LBB2_6-.Ltmp1, $4  }
0x18: {  	[hbm:s0], [sflag:s8] =	dma.local [spmem:s13], $0x2780  }
0x19: {  	_ =	swait.ge [sflag:s14], $0x2780  }
0x1a: {  	[sflag:s14] =	ssyncset.done $0x0  }
0x1b: {  	[sflag:s14] =	ssyncadd.s32 $0xFFFFD880  }
.LBB2_1:
0x1c: {  	s0 =	rddreg [dreg:$0x3]  }
0x1d: {  	[spmem:s13], [sflag:s8] =	dma.local [hbm:s0], $0x2780  }
.Ltmp2:
0x1e: {  	_ =	swait.ge [sflag:s14], $0x2780;
	(pc) =	sbr.rel @p0 .LBB2_5-.Ltmp2, $4  }
0x1f: {  	[sflag:s14] =	ssyncset.done $0x0  }
0x20: {  	[sflag:s14] =	ssyncadd.s32 $0xFFFFD880  }
0x21: {  	[bflag:$0x0] =	sbarrier.arrive $0xFFFF  }
0x22: {  	s0 =	simm.s32 $0x0  }
.LBB2_2:
0x23: {  	s1 =	smul.u32 $0x28, s0;
	_ =	sdelay $0x1  }
0x24: {  	s1 =	sadd.s32 s1, s9  }
0x25: {  	s1 =	sshll.u32 s1, $0x4  }
0x26: {  	s7 =	sadd.s32 s5, s1  }
0x27: {  	[tilespmem:s15], [sflag:$0x5] =	stream.linear.gather [hbm4b:s7+s3], $0x1400, $0x38;
	[tilespmem:$0x1E400] =	vst v63  }
0x28: {  	_ =	swait.ge [sflag:s14], $0x1400  }
0x29: {  	[sflag:s14] =	ssyncset.done $0x0  }
0x2a: {  	s1 =	sadd.s32 s6, s1;
	[sflag:s14] =	ssyncadd.s32 $0xFFFFEC00  }
0x2b: {  	[tilespmem:s16], [sflag:$0x5] =	stream.linear.gather [hbm4b:s1+s3], $0x1400, $0x38;
	[tilespmem:$0x1E400] =	vst v63  }
0x2c: {  	_ =	swait.ge [sflag:s14], $0x1400  }
0x2d: {  	[sflag:s14] =	ssyncset.done $0x0  }
0x2e: {  	[sflag:s14] =	ssyncadd.s32 $0xFFFFEC00  }
0x2f: {  	[tilespmem:s18], [sflag:$0x1] =	stream.indirect.gather [hbm4b:s4+s17], $0x80, s15, s17, $0xb8;
	[tilespmem:$0x1E400] =	vst v63  }
0x30: {  	_ = 	snop  }
0x31: {  	[tilespmem:s20], [sflag:$0x2] =	stream.indirect.gather [hbm4b:s4+s17], $0x80, s19, s17, $0xb8;
	[tilespmem:$0x1E400] =	vst v63  }
0x32: {  	_ =	swait.ge [sflag:s21], $0x4000  }
0x33: {  	[sflag:s21] =	ssyncset.done $0x0  }
0x34: {  	[sflag:s21] =	ssyncadd.s32 $0xFFFFC000  }
0x35: {  	[spmem:s2] =	stream.indirect.scatter.add.f32 [tilespmem:s18], [sflag:$0x3], $0x80, s16, s17, $0xb8;
	[tilespmem:$0x1E400] =	vst v63  }
0x36: {  	_ =	swait.ge [sflag:s22], $0x4000  }
0x37: {  	[sflag:s22] =	ssyncset.done $0x0  }
0x38: {  	[sflag:s22] =	ssyncadd.s32 $0xFFFFC000  }
0x39: {  	[tilespmem:s18], [sflag:$0x1] =	stream.indirect.gather [hbm4b:s4+s17], $0x80, s23, s17, $0xb8;
	[tilespmem:$0x1E400] =	vst v63  }
0x3a: {  	_ =	swait.ge [sflag:s24], $0x4000  }
0x3b: {  	[sflag:s24] =	ssyncset.done $0x0  }
0x3c: {  	[sflag:s24] =	ssyncadd.s32 $0xFFFFC000  }
0x3d: {  	[spmem:s2] =	stream.indirect.scatter.add.f32 [tilespmem:s20], [sflag:$0x4], $0x80, s25, s17, $0xb8;
	[tilespmem:$0x1E400] =	vst v63  }
0x3e: {  	_ =	swait.ge [sflag:s26], $0x4000  }
0x3f: {  	[sflag:s26] =	ssyncset.done $0x0  }
0x40: {  	s10 =	simm.s32 $0x13D80;
	[sflag:s26] =	ssyncadd.s32 $0xFFFFC000  }
0x41: {  	[tilespmem:s20], [sflag:$0x2] =	stream.indirect.gather [hbm4b:s4+s17], $0x80, s10, s17, $0xb8;
	[tilespmem:$0x1E400] =	vst v63  }
0x42: {  	_ =	swait.ge [sflag:s21], $0x4000  }
0x43: {  	[sflag:s21] =	ssyncset.done $0x0  }
0x44: {  	s7 =	simm.s32 $0x15100;
	[sflag:s21] =	ssyncadd.s32 $0xFFFFC000  }
0x45: {  	[spmem:s2] =	stream.indirect.scatter.add.f32 [tilespmem:s18], [sflag:$0x3], $0x80, s7, s17, $0xb8;
	[tilespmem:$0x1E400] =	vst v63  }
0x46: {  	_ =	swait.ge [sflag:s22], $0x4000  }
0x47: {  	[sflag:s22] =	ssyncset.done $0x0  }
0x48: {  	s10 =	simm.s32 $0x13E00;
	[sflag:s22] =	ssyncadd.s32 $0xFFFFC000  }
0x49: {  	[tilespmem:s18], [sflag:$0x1] =	stream.indirect.gather [hbm4b:s4+s17], $0x80, s10, s17, $0xb8;
	[tilespmem:$0x1E400] =	vst v63  }
0x4a: {  	_ =	swait.ge [sflag:s24], $0x4000  }
0x4b: {  	[sflag:s24] =	ssyncset.done $0x0  }
0x4c: {  	s1 =	simm.s32 $0xFFFFBC00;
	s7 =	simm.s32 $0x15180;
	[sflag:s24] =	ssyncadd.s32 $0xFFFFC000  }
.LBB2_3:
0x4d: {  	[spmem:s2] =	stream.indirect.scatter.add.f32 [tilespmem:s20], [sflag:$0x4], $0x80, s7, s17, $0xb8;
	[tilespmem:$0x1E400] =	vst v63  }
0x4e: {  	s7 =	smov.u32 s1  }
0x4f: {  	p1 =	sne.s32 s1, $0xFFFFFC00;
	s1 =	sadd.s32 $0x400, s1;
	_ =	swait.ge [sflag:s26], $0x4000  }
0x50: {  	s7 =	sshra.s32 s7, $0x2;
	[sflag:s26] =	ssyncset.done $0x0  }
0x51: {  	s10 =	sadd.s32 $0x14F80, s7;
	[sflag:s26] =	ssyncadd.s32 $0xFFFFC000  }
0x52: {  	[tilespmem:s20], [sflag:$0x2] =	stream.indirect.gather [hbm4b:s4+s17], $0x80, s10, s17, $0xb8;
	[tilespmem:$0x1E400] =	vst v63  }
0x53: {  	_ =	swait.ge [sflag:s21], $0x4000  }
0x54: {  	[sflag:s21] =	ssyncset.done $0x0  }
0x55: {  	s10 =	sadd.s32 $0x16300, s7;
	[sflag:s21] =	ssyncadd.s32 $0xFFFFC000  }
0x56: {  	[spmem:s2] =	stream.indirect.scatter.add.f32 [tilespmem:s18], [sflag:$0x3], $0x80, s10, s17, $0xb8;
	[tilespmem:$0x1E400] =	vst v63  }
0x57: {  	_ =	swait.ge [sflag:s22], $0x4000  }
0x58: {  	[sflag:s22] =	ssyncset.done $0x0  }
.Ltmp3:
0x59: {  	s10 =	sadd.s32 $0x15000, s7;
	[sflag:s22] =	ssyncadd.s32 $0xFFFFC000;
	(pc) =	sbr.rel @p1 .LBB2_3-.Ltmp3, $4  }
0x5a: {  	[tilespmem:s18], [sflag:$0x1] =	stream.indirect.gather [hbm4b:s4+s17], $0x80, s10, s17, $0xb8;
	[tilespmem:$0x1E400] =	vst v63  }
0x5b: {  	_ =	swait.ge [sflag:s24], $0x4000  }
0x5c: {  	[sflag:s24] =	ssyncset.done $0x0  }
0x5d: {  	s7 =	sadd.s32 $0x16380, s7;
	[sflag:s24] =	ssyncadd.s32 $0xFFFFC000  }
0x5e: {  	[spmem:s2] =	stream.indirect.scatter.add.f32 [tilespmem:s20], [sflag:$0x4], $0x80, s7, s17, $0xb8;
	[tilespmem:$0x1E400] =	vst v63  }
0x5f: {  	_ =	swait.ge [sflag:s26], $0x4000  }
0x60: {  	[sflag:s26] =	ssyncset.done $0x0  }
0x61: {  	[sflag:s26] =	ssyncadd.s32 $0xFFFFC000  }
0x62: {  	[tilespmem:s20], [sflag:$0x2] =	stream.indirect.gather [hbm4b:s4+s17], $0x80, s28, s17, $0xb8;
	[tilespmem:$0x1E400] =	vst v63  }
0x63: {  	_ =	swait.ge [sflag:s21], $0x4000  }
0x64: {  	[sflag:s21] =	ssyncset.done $0x0  }
0x65: {  	[sflag:s21] =	ssyncadd.s32 $0xFFFFC000  }
0x66: {  	[spmem:s2] =	stream.indirect.scatter.add.f32 [tilespmem:s18], [sflag:$0x3], $0x80, s29, s17, $0xb8;
	[tilespmem:$0x1E400] =	vst v63  }
0x67: {  	_ =	swait.ge [sflag:s22], $0x4000  }
0x68: {  	[sflag:s22] =	ssyncset.done $0x0  }
0x69: {  	[sflag:s22] =	ssyncadd.s32 $0xFFFFC000  }
0x6a: {  	_ =	swait.ge [sflag:s24], $0x4000  }
0x6b: {  	s0 =	sadd.s32 $0x1, s0;
	[sflag:s24] =	ssyncset.done $0x0  }
0x6c: {  	p1 =	sne.s32 s0, s11;
	[sflag:s24] =	ssyncadd.s32 $0xFFFFC000  }
0x6d: {  	[spmem:s2] =	stream.indirect.scatter.add.f32 [tilespmem:s20], [sflag:$0x4], $0x80, s30, s17, $0xb8;
	[tilespmem:$0x1E400] =	vst v63  }
.Ltmp4:
0x6e: {  	_ = 	snop;
	(pc) =	sbr.rel @p1 .LBB2_2-.Ltmp4, $4  }
.Ltmp5:
0x6f: {  	_ = 	snop;
	(pc) =	sbr.rel @!p1 .LBB2_5-.Ltmp5, $4  }
0x70: {  	_ =	swait.ge [sflag:s26], $0x4000  }
0x71: {  	[sflag:s26] =	ssyncset.done $0x0  }
0x72: {  	[sflag:s26] =	ssyncadd.s32 $0xFFFFC000  }
0x73: {  	_ = 	snop  }
.LBB2_6:
0x74: {  	_ =	sfence.sel $0x180000  }
0x75: {  	[bflag:$0x0] =	sbarrier.arrive $0xFFFF  }
0x76: {  	_ =	strace $0x9000004D  }
0x77: {  	s0 =	stileid.u32;
	[bflag:$0x2] =	sbarrier.arrive $0xFFFF  }
0x78: {  	p0 =	sne.s32 s0, $0x0;
	s0 =	rddreg [dreg:$0x2]  }
0x79: {  	s0 =	sadd.s32 @!p0 $0x100000, s0  }
0x7a: {  	[sflag:s0] =	ssyncadd.tile.s32 @!p0 $0x1;
	_ =	shalt  }
.Lfunc_end2:
_tile_overlayer_lowered:
.L_overlay_start_2:
0x7b: {  	(tag) =	ssettag $0x2  }
0x7c: {  	s0 =	rddreg [dreg:$0x0];
	s2 =	stileid.u32  }
0x7d: {  	s1 =	rddreg [dreg:$0x1];
	p0 =	sne.s32 s2, $0x0  }
0x7e: {  	s3 =	rddreg [dreg:$0x2];
	[bflag:$0x3] =	sbarrier.arrive $0xFFFF;
	s2 =	simm.s32 @!p0 $0x1C05  }
0x7f: {  	[timem:s3], [sflag:s2] =	dma.local @!p0 [hbm:s0], s1  }
0x80: {  	s0 =	simm.s32 @!p0 $0x5  }
0x81: {  	_ =	swait.ge @!p0 [sflag:s0], s1  }
0x82: {  	s1 =	ssub.s32 @!p0 $0x0, s1;
	[sflag:s0] =	ssyncset.done @!p0 $0x0  }
0x83: {  	[sflag:s0] =	ssyncadd.s32 @!p0 s1  }
0x84: {  	[bflag:$0x3] =	sbarrier.arrive $0xFFFF  }
0x85: {  	_ =	shalt  }

// kernel: kernel.8.cloned.1.call-start
scs
__scs_entry_jumppad:
0x0: {  	(pc) =	sbr.rel $0x88, $3  }
0x1: {  	(tag) =	ssettag $0x0;
	lr =	simm.s32 $0x1  }
0x2: {  	[smem:$0x3F99] =	sst lr;
	_ =	strace $0xD0000000  }
0x3: {  	_ = 	snop  }
0x4: {  	_ = 	snop  }
0x5: {  	_ = 	snop  }
0x6: {  	_ = 	snop  }
0x7: {  	_ = 	snop  }
__scs_overlays_trampoline_lowered:
0x8: {  	[smem:$0x3FA8] =	sst s0  }
0x9: {  	[smem:$0x3FA9] =	sst s1  }
0xa: {  	[smem:$0x3FAA] =	sst s2  }
0xb: {  	[smem:$0x3FAB] =	sst s3  }
0xc: {  	[smem:$0x3FAC] =	sst s4  }
0xd: {  	[smem:$0x3FAD] =	sst s5  }
0xe: {  	[smem:$0x3FAE] =	sst s6  }
0xf: {  	[smem:$0x3FAF] =	sst s7  }
0x10: {  	[smem:$0x3FB0] =	sst s8  }
0x11: {  	[smem:$0x3FB1] =	sst s9;
	s0 =	simm.s32 @!p0 $0x0  }
0x12: {  	s1 =	sld [smem:$0x3F97];
	s0 =	simm.s32 @p0 $0x1  }
0x13: {  	[smem:$0x3FB2] =	sst s0;
	s0 =	simm.s32 @!p1 $0x0  }
0x14: {  	s2 =	sld [smem:$0x3F96];
	s0 =	simm.s32 @p1 $0x1  }
0x15: {  	[smem:$0x3FB3] =	sst s0;
	s0 =	simm.s32 @!p2 $0x0  }
0x16: {  	s3 =	sld [smem:$0x3FDB];
	s0 =	simm.s32 @p2 $0x1  }
0x17: {  	s4 =	simm.s32 $0x1BF5;
	[smem:$0x3FB5] =	sst s0  }
0x18: {  	s0 =	sld [smem:$0x3F98];
	_ =	swait.ge [sflag:s4], $0x0  }
0x19: {  	s7 =	sld [smem:$0x3F99]  }
0x1a: {  	s8 =	sadd.s32 $0xFFFFE003, lr  }
0x1b: {  	s9 =	sadd.s32 $0xFFFFFEF7, lr;
	s5 =	simm.s32 $0xFFFFFFFF;
	p2 =	slt.u32 s8, $0xFFFFF086  }
0x1c: {  	p1 =	slt.u32 s9, $0xF7A;
	s5 =	simm.s32 @!p2 $0x0  }
0x1d: {  	s5 =	simm.s32 @p1 $0x1;
	p0 =	seq.s32 s7, s2  }
0x1e: {  	s7 =	smul.u32 @!p0 $0xF7A, s2;
	p2 =	seq.s32 @!p0 s5, $0x0  }
0x1f: {  	s9 =	smul.u32 $0xF7A, s1;
	s8 =	simm.s32 @!p0 $0x1BF5;
	p2 =	por !p2, p0  }
0x20: {  	[sflag:s8] =	ssyncset.s32 @!p0 $0xFFFFF086;
	s6 =	sadd.s32 @!p0 s3, s7;
	s7 =	simm.s32 @!p0 $0x108  }
0x21: {  	s3 =	sadd.s32 s3, s9;
	s6 =	sadd.s32 @!p0 $0x88, s6;
	s7 =	simm.s32 @p2 $0x1082  }
0x22: {  	[simem:s7], [sflag:s8] =	dma.local @!p0 [hbm:s6], $0xF7A  }
0x23: {  	s9 =	sor.u32 $0xD0000000, s2;
	s6 =	simm.s32 $0x108;
	_ =	swait.ge @!p0 [sflag:s8], $0x0  }
0x24: {  	s3 =	sadd.s32 $0x88, s3;
	s6 =	simm.s32 @!p1 $0x1082;
	[sflag:s4] =	ssyncset.s32 $0xFFFFF086  }
0x25: {  	[simem:s6], [sflag:s4] =	dma.local [hbm:s3], $0xF7A  }
0x26: {  	[smem:$0x3F99] =	sst s1;
	(tag) =	ssettag s2;
	_ =	strace s9  }
0x27: {  	s1 =	sld [smem:$0x3FA9]  }
0x28: {  	s2 =	sld [smem:$0x3FAA]  }
0x29: {  	s4 =	sld [smem:$0x3FAC]  }
0x2a: {  	p0 =	seq.s32 s5, $0x0;
	s5 =	sld [smem:$0x3FAD]  }
0x2b: {  	s6 =	sld [smem:$0x3FAE]  }
0x2c: {  	s7 =	sld [smem:$0x3FAF]  }
0x2d: {  	s3 =	simm.s32 $0x108;
	s8 =	sld [smem:$0x3FB0]  }
0x2e: {  	s3 =	simm.s32 @!p0 $0x1082;
	s9 =	sld [smem:$0x3FB1]  }
0x2f: {  	lr =	sadd.s32 s0, s3;
	s0 =	sld [smem:$0x3FA8]  }
0x30: {  	s3 =	sld [smem:$0x3FAB]  }
0x31: {  	[smem:$0x3FB4] =	sst s10  }
0x32: {  	s10 =	sld [smem:$0x3FB2];
	_ =	sdelay $0x3  }
0x33: {  	p0 =	seq.s32 s10, $0x1;
	s10 =	sld [smem:$0x3FB4];
	_ =	sdelay $0x3  }
0x34: {  	[smem:$0x3FB4] =	sst s10  }
0x35: {  	s10 =	sld [smem:$0x3FB3];
	_ =	sdelay $0x3  }
0x36: {  	p1 =	seq.s32 s10, $0x1;
	s10 =	sld [smem:$0x3FB4];
	_ =	sdelay $0x3  }
0x37: {  	[smem:$0x3FB4] =	sst s10  }
0x38: {  	s10 =	sld [smem:$0x3FB5]  }
0x39: {  	_ = 	snop;
	(pc) =	sbr.ind lr, $3  }
0x3a: {  	_ = 	snop  }
0x3b: {  	_ = 	snop  }
0x3c: {  	p2 =	seq.s32 s10, $0x1;
	s10 =	sld [smem:$0x3FB4]  }
0x3d: {  	_ =	shalt  }
0x3e: {  	_ =	shalt  }
0x3f: {  	_ =	shalt  }
0x40: {  	_ =	shalt  }
0x41: {  	_ =	shalt  }
0x42: {  	_ =	shalt  }
0x43: {  	_ =	shalt  }
0x44: {  	_ =	shalt  }
0x45: {  	_ =	shalt  }
0x46: {  	_ =	shalt  }
0x47: {  	_ =	shalt  }
0x48: {  	_ =	shalt  }
0x49: {  	_ =	shalt  }
0x4a: {  	_ =	shalt  }
0x4b: {  	_ =	shalt  }
0x4c: {  	_ =	shalt  }
0x4d: {  	_ =	shalt  }
0x4e: {  	_ =	shalt  }
0x4f: {  	_ =	shalt  }
0x50: {  	_ =	shalt  }
0x51: {  	_ =	shalt  }
0x52: {  	_ =	shalt  }
0x53: {  	_ =	shalt  }
0x54: {  	_ =	shalt  }
0x55: {  	_ =	shalt  }
0x56: {  	_ =	shalt  }
0x57: {  	_ =	shalt  }
0x58: {  	_ =	shalt  }
0x59: {  	_ =	shalt  }
0x5a: {  	_ =	shalt  }
0x5b: {  	_ =	shalt  }
0x5c: {  	_ =	shalt  }
0x5d: {  	_ =	shalt  }
0x5e: {  	_ =	shalt  }
0x5f: {  	_ =	shalt  }
0x60: {  	_ =	shalt  }
0x61: {  	_ =	shalt  }
0x62: {  	_ =	shalt  }
0x63: {  	_ =	shalt  }
0x64: {  	_ =	shalt  }
0x65: {  	_ =	shalt  }
0x66: {  	_ =	shalt  }
0x67: {  	_ =	shalt  }
0x68: {  	_ =	shalt  }
0x69: {  	_ =	shalt  }
0x6a: {  	_ =	shalt  }
0x6b: {  	_ =	shalt  }
0x6c: {  	_ =	shalt  }
0x6d: {  	_ =	shalt  }
0x6e: {  	_ =	shalt  }
0x6f: {  	_ =	shalt  }
0x70: {  	_ =	shalt  }
0x71: {  	_ =	shalt  }
0x72: {  	_ =	shalt  }
0x73: {  	_ =	shalt  }
0x74: {  	_ =	shalt  }
0x75: {  	_ =	shalt  }
0x76: {  	_ =	shalt  }
0x77: {  	_ =	shalt  }
0x78: {  	_ =	shalt  }
0x79: {  	_ =	shalt  }
0x7a: {  	_ =	shalt  }
0x7b: {  	_ =	shalt  }
0x7c: {  	_ =	shalt  }
0x7d: {  	_ =	shalt  }
0x7e: {  	_ =	shalt  }
0x7f: {  	_ =	shalt  }
0x80: {  	_ =	shalt  }
0x81: {  	_ =	shalt  }
0x82: {  	_ =	shalt  }
0x83: {  	_ =	shalt  }
0x84: {  	_ =	shalt  }
0x85: {  	_ =	shalt  }
0x86: {  	_ =	shalt  }
0x87: {  	_ =	shalt  }
.Lfunc_end0:
.L_simem_size_0:
called_computation_lowered:
.L_overlay_start_0:
0x88: {  	s2 =	sld [smem:$0x3FD9]  }
0x89: {  	s3 =	sld [smem:$0x3FFE];
	_ =	sdelay $0x1  }
0x8a: {  	s1 =	srdreg.scid  }
0x8b: {  	s0 =	sand.u32 $0x1, s1  }
0x8c: {  	s16 =	sshll.u32 s0, $0xA;
	s2 =	sadd.s32 s3, s2  }
0x8d: {  	s2 =	sadd.s32 s2, s16  }
0x8e: {  	[smem:$0x3FC0] =	sst s2  }
0x8f: {  	_ = 	snop  }
0x90: {  	(tm) =	ssettm $0x1  }
0x91: {  	s17 =	sld [smem:$0x3FFB];
	_ =	sdelay $0x3  }
0x92: {  	_ =	strace s17  }
0x93: {  	s2 =	sld [smem:$0x3FFC];
	_ =	sdelay $0x3  }
0x94: {  	_ =	strace s2  }
0x95: {  	s2 =	sld [smem:$0x3FFD];
	_ =	sdelay $0x3  }
0x96: {  	_ =	strace s2  }
0x97: {  	_ =	strace $0x8FFFFFFF  }
0x98: {  	s18 =	sld [smem:$0x3FDB];
	_ =	sdelay $0x1  }
0x99: {  	s19 =	simm.s32 $_scs_section_size  }
0x9a: {  	s4 =	simm.s32 $_size__tile_overlayer_lowered;
	s5 =	simm.s32 $_tile_overlayer_lowered  }
0x9b: {  	s22 =	simm.s32 $0x1BFF;
	s21 =	sshll.u32 s5, $0x1;
	s2 =	sadd.s32 s19, s18  }
0x9c: {  	s6 =	simm.s32 $0x0;
	s20 =	sshll.u32 s4, $0x1;
	s4 =	sadd.s32 s21, s2  }
0x9d: {  	[timem:s6], [sflag:s22] =	dma.local [hbm:s4], s20  }
0x9e: {  	_ =	swait.ge [sflag:s22], s20  }
0x9f: {  	s3 =	ssub.s32 $0x0, s20;
	[sflag:s22] =	ssyncset.done $0x0  }
0xa0: {  	[sflag:s22] =	ssyncadd.s32 s3;
	_ =	sdelay $0x1  }
0xa1: {  	s23 =	simm.s32 $0x1B8B  }
0xa2: {  	_ =	swait.ge [sflag:s23], $0x1  }
0xa3: {  	[sflag:s23] =	ssyncset.done $0x0  }
0xa4: {  	s25 =	simm.s32 $0x1B8E;
	s24 =	sld [smem:$0x3FFE];
	[sflag:s23] =	ssyncadd.s32 $0xFFFFFFFF  }
0xa5: {  	s26 =	simm.s32 $execute0_lowered;
	[smem:$0x3FD2] =	sst s25  }
0xa6: {  	s4 =	sshll.u32 s26, $0x1;
	_ =	strace $0x80000046;
	[dreg:$0x1] =	wrdreg $0xFFFFFFFF  }
0xa7: {  	s28 =	simm.s32 $_size_execute0_lowered;
	s2 =	sadd.s32 s2, s4;
	[dreg:$0x0] =	wrdreg $0x0  }
0xa8: {  	s4 =	sshll.u32 s28, $0x1;
	[dreg:$0x2] =	wrdreg s2  }
0xa9: {  	[dreg:$0x3] =	wrdreg s4  }
0xaa: {  	[dreg:$0x4] =	wrdreg $0xC0  }
0xab: {  	_ =	task [dreg:s6], $0x5FFFF  }
0xac: {  	[dreg:$0x1] =	wrdreg $0xFFFFFFFF  }
0xad: {  	[dreg:$0x0] =	wrdreg $0x60  }
0xae: {  	[dreg:$0x2] =	wrdreg s24  }
0xaf: {  	[dreg:$0x3] =	wrdreg $0x0  }
0xb0: {  	[dreg:$0x4] =	wrdreg $0x9  }
0xb1: {  	_ =	task.clear_ibuf [dreg:s6], $0x5FFFF;
	_ =	strace $0x90000046  }
0xb2: {  	s29 =	simm.s32 $0x9;
	_ =	strace $0x80000048  }
0xb3: {  	_ =	swait.ge [sflag:s29], $0x1  }
0xb4: {  	[sflag:s29] =	ssyncadd.s32 $0xFFFFFFFF  }
0xb5: {  	_ =	strace $0x90000048  }
0xb6: {  	_ =	sfence  }
0xb7: {  	s30 =	sld [smem:$0x0];
	_ =	sdelay $0x2  }
0xb8: {  	s31 =	sshll.u32 s1, $0xD;
	s1 =	sshrl.u32 s1, $0x2  }
0xb9: {  	s3 =	sand.u32 $0x4000, s31;
	s1 =	sadd.s32 s1, s30  }
0xba: {  	s0 =	sor.u32 s3, s0;
	s1 =	sshll.u32 s1, $0x11  }
0xbb: {  	s0 =	sor.u32 s1, s0  }
0xbc: {  	s0 =	sadd.s32 $0x8F2B, s0  }
0xbd: {  	[sflag:s0] =	ssyncadd.remote.s32 $0x1  }
0xbe: {  	_ =	sfence.sel $0xFFFF  }
0xbf: {  	[dreg:$0x0] =	wrdreg $0xFFFFFFFF;
	(pc) =	sbr.abs _section_cstart, $3  }
0xc0: {  	[dreg:$0x1] =	wrdreg $0xFFFFFFFF  }
0xc1: {  	_ =	task.clear_ibuf [dreg:s6], $0x2FFFF;
	_ =	strace $0x9FFFFFFF  }
0xc2: {  	(tm) =	ssettm $0x7FFFFFFF  }
0xc3: {  	_ =	shalt  }
tec
execute0_lowered:
.L_overlay_start_1:
0x0: {  	(tag) =	ssettag $0x1  }
0x1: {  	s0 =	srdreg.scid;
	s5 =	rddreg [dreg:$0x0]  }
0x2: {  	s2 =	rddreg [dreg:$0x1];
	s3 =	simm.s32 $0x0;
	s4 =	sand.u32 $0x1, s0  }
0x3: {  	s13 =	simm.s32 $0x1;
	s0 =	stileid.u32;
	s7 =	smul.u32 $0x13C000, s4  }
0x4: {  	s14 =	simm.s32 $0x2780;
	s15 =	simm.s32 $0x80;
	s8 =	smul.u32 $0x13C00, s0  }
0x5: {  	[smem:$0x7FF] =	sst s3;
	s1 =	sshll.u32 s4, $0x4;
	s9 =	smul.u32 $0x4F000, s0  }
0x6: {  	s29 =	ssub.s32 $0x2, s4;
	s16 =	sshll.u32 s0, $0x6;
	s1 =	sor.u32 s0, s1  }
0x7: {  	s31 =	sshrl.u32 s29, $0x1;
	s16 =	sor.u32 $0x1C01, s16;
	s6 =	smul.u32 $0x500, s1  }
0x8: {  	s1 =	rddreg [dreg:$0x2];
	_ =	strace $0x80000047;
	s30 =	sshrl.u32 s9, $0x2  }
0x9: {  	s28 =	sadd.s32 s8, s7;
	s12 =	ssub.s32 s29, s31;
	s4 =	sadd.s32 s30, s2  }
0xa: {  	s10 =	sadd.s32 s6, s5;
	s6 =	sshrl.u32 s28, $0x3;
	s7 =	sadd.s32 $0xC000, s4  }
0xb: {  	s8 =	sadd.s32 $0x10000, s4;
	s17 =	sshrl.u32 s4, $0x3;
	s11 =	sadd.s32 s6, s5  }
0xc: {  	s5 =	sadd.s32 $0x4000, s4;
	s6 =	sadd.s32 $0x8000, s4;
	s9 =	sadd.s32 $0xC400, s10  }
0xd: {  	v0 =	vimm.f32 $0.0e+00;
	v1 =	vimm.f32 $1.000000000e+00;
	s10 =	sadd.s32 $0x16400, s11;
	s11 =	smax.u32 s12, $0x1;
	s12 =	simm.s32 $0x4F80  }
.LBB2_1:
0xe: {  	s18 =	simm.s32 $0x200;
	s19 =	simm.s32 $0x0  }
.LBB2_2:
0xf: {  	p0 =	sne.s32 s18, $0xFE00;
	[tilespmem:s19+$0x4F80] =	vst v0;
	s19 =	smov.u32 s18;
	s18 =	sadd.s32 $0x200, s18  }
.Ltmp0:
0x10: {  	(pc) =	sbr.rel @p0 .LBB2_2-.Ltmp0, $2  }
0x11: {  	_ =	sdelay $0x2  }
0x12: {  	s19 =	sshra.s32 s19, $0x2  }
0x13: {  	[tilespmem:s19+$0x4F80] =	vst v0  }
0x14: {  	[spmem:s4] =	stream.linear.scatter [tilespmem:s12], [sflag:$0x1], $0x4000, $0x38;
	[tilespmem:$0x8F80] =	vst v63  }
0x15: {  	_ =	swait.ge [sflag:s13], $0x4000  }
0x16: {  	[sflag:s13] =	ssyncset.done $0x0  }
0x17: {  	[sflag:s13] =	ssyncadd.s32 $0xFFFFC000  }
0x18: {  	[spmem:s5] =	stream.linear.scatter [tilespmem:s12], [sflag:$0x1], $0x4000, $0x38;
	[tilespmem:$0x8F80] =	vst v63  }
0x19: {  	_ =	swait.ge [sflag:s13], $0x4000  }
0x1a: {  	[sflag:s13] =	ssyncset.done $0x0  }
0x1b: {  	[sflag:s13] =	ssyncadd.s32 $0xFFFFC000  }
0x1c: {  	[spmem:s6] =	stream.linear.scatter [tilespmem:s12], [sflag:$0x1], $0x4000, $0x38;
	[tilespmem:$0x8F80] =	vst v63  }
0x1d: {  	_ =	swait.ge [sflag:s13], $0x4000  }
0x1e: {  	[sflag:s13] =	ssyncset.done $0x0  }
0x1f: {  	[sflag:s13] =	ssyncadd.s32 $0xFFFFC000  }
0x20: {  	[spmem:s7] =	stream.linear.scatter [tilespmem:s12], [sflag:$0x1], $0x4000, $0x38;
	[tilespmem:$0x8F80] =	vst v63  }
0x21: {  	_ =	swait.ge [sflag:s13], $0x4000  }
0x22: {  	[sflag:s13] =	ssyncset.done $0x0  }
0x23: {  	[sflag:s13] =	ssyncadd.s32 $0xFFFFC000  }
0x24: {  	[spmem:s8] =	stream.linear.scatter [tilespmem:s12], [sflag:$0x1], $0x3C00, $0x38;
	[tilespmem:$0x8F80] =	vst v63  }
0x25: {  	_ =	swait.ge [sflag:s13], $0x3C00  }
0x26: {  	[sflag:s13] =	ssyncset.done $0x0  }
0x27: {  	s18 =	simm.s32 $0x0;
	[sflag:s13] =	ssyncadd.s32 $0xFFFFC400  }
0x28: {  	[tilespmem:s14], [sflag:$0x1] =	stream.linear.gather [hbm4b:s9+s18], $0x2800, $0x38;
	[tilespmem:$0x8F80] =	vst v63  }
0x29: {  	_ =	swait.ge [sflag:s13], $0x2800  }
0x2a: {  	[sflag:s13] =	ssyncset.done $0x0  }
0x2b: {  	[sflag:s13] =	ssyncadd.s32 $0xFFFFD800  }
0x2c: {  	s19 =	simm.s32 $0x0;
	s18 =	simm.s32 $0x200;
	[bflag:$0x0] =	sbarrier.arrive $0xFFFF  }
.LBB2_4:
0x2d: {  	p0 =	sne.s32 s18, $0xFE00;
	[tilespmem:s19+$0x4F80] =	vst v1;
	s19 =	smov.u32 s18;
	s18 =	sadd.s32 $0x200, s18  }
.Ltmp1:
0x2e: {  	(pc) =	sbr.rel @p0 .LBB2_4-.Ltmp1, $2  }
0x2f: {  	_ =	sdelay $0x2  }
0x30: {  	s19 =	sshra.s32 s19, $0x2  }
0x31: {  	[tilespmem:s19+$0x4F80] =	vst v1;
	s18 =	simm.s32 $0x2780  }
0x32: {  	[spmem:s2] =	stream.indirect.scatter.add.f32 [tilespmem:s12], [sflag:$0x1], $0x10, s18, s15, $0xb8;
	[tilespmem:$0x8F80] =	vst v63  }
0x33: {  	s18 =	simm.s32 $0x200;
	_ =	swait.ge [sflag:s13], $0x800  }
.LBB2_6:
0x34: {  	s19 =	sshra.s32 s18, $0x2;
	[sflag:s13] =	ssyncset.done $0x0;
	p0 =	sne.s32 s18, $0x9E00  }
.Ltmp2:
0x35: {  	s19 =	sadd.s32 $0x2780, s19;
	[sflag:s13] =	ssyncadd.s32 $0xFFFFF800;
	(pc) =	sbr.rel @p0 .LBB2_6-.Ltmp2, $3  }
0x36: {  	[spmem:s2] =	stream.indirect.scatter.add.f32 [tilespmem:s12], [sflag:$0x1], $0x10, s19, s15, $0xb8;
	[tilespmem:$0x8F80] =	vst v63  }
0x37: {  	s18 =	sadd.s32 $0x200, s18;
	_ =	sdelay $0x1  }
0x38: {  	_ =	swait.ge [sflag:s13], $0x800  }
0x39: {  	[sflag:s13] =	ssyncset.done $0x0;
	s3 =	sadd.s32 $0x1, s3  }
0x3a: {  	[sflag:s13] =	ssyncadd.s32 $0xFFFFF800;
	p0 =	sne.s32 s3, s11  }
.Ltmp3:
0x3b: {  	[bflag:$0x0] =	sbarrier.arrive $0xFFFF;
	(pc) =	sbr.rel @p0 .LBB2_1-.Ltmp3, $4  }
0x3c: {  	[hbm:s10], [sflag:s16] =	dma.local [spmem:s17], $0x2780  }
0x3d: {  	_ =	swait.ge [sflag:s13], $0x2780  }
0x3e: {  	[sflag:s13] =	ssyncset.done $0x0  }
0x3f: {  	[sflag:s13] =	ssyncadd.s32 $0xFFFFD880  }
0x40: {  	_ =	sfence.sel $0x180000  }
0x41: {  	[bflag:$0x0] =	sbarrier.arrive $0xFFFF  }
0x42: {  	p0 =	sne.s32 s0, $0x0;
	_ =	strace $0x90000047  }
0x43: {  	s0 =	sadd.s32 @!p0 $0x100000, s1;
	[bflag:$0x2] =	sbarrier.arrive $0xFFFF  }
0x44: {  	[sflag:s0] =	ssyncadd.tile.s32 @!p0 $0x1;
	_ =	shalt  }
.Lfunc_end2:
_tile_overlayer_lowered:
.L_overlay_start_2:
0x45: {  	(tag) =	ssettag $0x2  }
0x46: {  	s0 =	rddreg [dreg:$0x0];
	s2 =	stileid.u32  }
0x47: {  	s1 =	rddreg [dreg:$0x1];
	p0 =	sne.s32 s2, $0x0  }
0x48: {  	s3 =	rddreg [dreg:$0x2];
	[bflag:$0x3] =	sbarrier.arrive $0xFFFF;
	s2 =	simm.s32 @!p0 $0x1C01  }
0x49: {  	[timem:s3], [sflag:s2] =	dma.local @!p0 [hbm:s0], s1  }
0x4a: {  	s0 =	simm.s32 @!p0 $0x1  }
0x4b: {  	_ =	swait.ge @!p0 [sflag:s0], s1  }
0x4c: {  	s1 =	ssub.s32 @!p0 $0x0, s1;
	[sflag:s0] =	ssyncset.done @!p0 $0x0  }
0x4d: {  	[sflag:s0] =	ssyncadd.s32 @!p0 s1  }
0x4e: {  	[bflag:$0x3] =	sbarrier.arrive $0xFFFF  }
0x4f: {  	_ =	shalt  }

</sc_bundles>
